<compile_context>
chip_gen: v7x
topology: tpu7x:2x2x1
jax: 0.10.2.dev20260603
libtpu: 0.0.44.dev20260713+nightly
codegen_flags: <defaults>
</compile_context>

<pallas_src>
import jax
import jax.numpy as jnp
from jax import lax
from jax.experimental import pallas as pl
from jax.experimental.pallas import tpu as pltpu
from jax.experimental.pallas import tpu_sc as plsc

DIM_ = 256
K_ = 8192
ROWS_PER_BLOCK = 512


def _e2h_body(e_ref, o_ref, t_ref):
    e = e_ref[...]
    o_ref[...] = 0.5 * jnp.sum(e * e, axis=0, keepdims=True)
    t_ref[...] = e.T


def _e2h(embed):
    return pl.pallas_call(
        _e2h_body,
        out_shape=[jax.ShapeDtypeStruct((1, K_), jnp.float32),
                   jax.ShapeDtypeStruct((K_, DIM_), jnp.float32)],
    )(embed)


def _tc_body(x_ref, e_ref, e2h_ref, idx_ref, diff_ref):
    i = pl.program_id(0)
    x = x_ref[...]
    e = e_ref[...]
    prod = lax.dot_general(
        x, e, (((1,), (0,)), ((), ())),
        preferred_element_type=jnp.float32,
        precision=lax.Precision.DEFAULT,
    )
    s = prod - e2h_ref[...]
    idx_ref[0, 0, :] = jnp.argmax(s, axis=1).astype(jnp.int32)
    maxs = jnp.max(s, axis=1)
    f2 = jnp.sum(x * x, axis=1)
    part = (jnp.sum(f2) - 2.0 * jnp.sum(maxs)).reshape(1, 1)

    @pl.when(i == 0)
    def _():
        diff_ref[...] = part

    @pl.when(i != 0)
    def _():
        diff_ref[...] += part


def _tc_assign(x, embed, e2h):
    n = x.shape[0]
    nblocks = n // ROWS_PER_BLOCK
    return pl.pallas_call(
        _tc_body,
        grid=(nblocks,),
        in_specs=[
            pl.BlockSpec((ROWS_PER_BLOCK, DIM_), lambda i: (i, 0)),
            pl.BlockSpec((DIM_, K_), lambda i: (0, 0)),
            pl.BlockSpec((1, K_), lambda i: (0, 0)),
        ],
        out_specs=[
            pl.BlockSpec((1, 1, ROWS_PER_BLOCK), lambda i: (i, 0, 0)),
            pl.BlockSpec((1, 1), lambda i: (0, 0)),
        ],
        out_shape=[
            jax.ShapeDtypeStruct((nblocks, 1, ROWS_PER_BLOCK), jnp.int32),
            jax.ShapeDtypeStruct((1, 1), jnp.float32),
        ],
    )(x, embed, e2h)


_SC_NW = 32
_SC_WIN = 64
_SC_NBUF = 6
_SC_DEPTH = 3


def _sc_gather(table, idx2d):
    n = idx2d.shape[0] * idx2d.shape[1]
    bpw = n // _SC_NW
    nwin = bpw // _SC_WIN
    wrows = idx2d.shape[0] // _SC_NW
    mesh = plsc.VectorSubcoreMesh(core_axis_name="core",
                                  subcore_axis_name="subcore")

    @pl.kernel(
        out_type=jax.ShapeDtypeStruct((n, DIM_), jnp.float32),
        mesh=mesh,
        scratch_types=(
            [pltpu.VMEM((wrows, _SC_WIN), jnp.int32)]
            + [pltpu.VMEM((_SC_WIN, DIM_), jnp.float32)] * _SC_NBUF
            + [pltpu.SemaphoreType.DMA((_SC_NBUF,)),
               pltpu.SemaphoreType.DMA((_SC_NBUF,)),
               pltpu.SemaphoreType.DMA]
        ),
    )
    def k(table_hbm, i_hbm, o_hbm, idx_v, b0, b1, b2, b3, b4, b5,
          gsem, ssem, isem):
        wid = lax.axis_index("subcore") * 2 + lax.axis_index("core")
        base = wid * bpw
        pltpu.async_copy(i_hbm.at[pl.ds(wid * wrows, wrows)], idx_v,
                         isem).wait()
        bufs = [b0, b1, b2, b3, b4, b5]
        gd = [None] * nwin
        sd = [None] * nwin

        def issue_gather(j):
            b = j % _SC_NBUF
            gd[j] = pltpu.async_copy(table_hbm.at[idx_v.at[j]], bufs[b],
                                     gsem.at[b])

        for j in range(_SC_DEPTH):
            issue_gather(j)
        for j in range(nwin):
            b = j % _SC_NBUF
            gd[j].wait()
            sd[j] = pltpu.async_copy(
                bufs[b], o_hbm.at[pl.ds(base + j * _SC_WIN, _SC_WIN)],
                ssem.at[b])
            nj = j + _SC_DEPTH
            if nj < nwin:
                if nj >= _SC_NBUF:
                    sd[nj - _SC_NBUF].wait()
                issue_gather(nj)
        for j in range(nwin - _SC_NBUF, nwin):
            sd[j].wait()

    return k(table, idx2d)


def kernel(input, embed):
    x = input.reshape(-1, DIM_)
    n = x.shape[0]
    e2h, embed_t = _e2h(embed)
    idx3, diff_sum = _tc_assign(x, embed, e2h)
    idx_flat = idx3.reshape(-1)
    embed_ind = idx_flat.reshape(input.shape[:-1])
    quantize = _sc_gather(embed_t, idx_flat.reshape(n // _SC_WIN, _SC_WIN))
    quantize_st = quantize.reshape(input.shape)
    diff = diff_sum[0, 0] / jnp.float32(n * DIM_)
    return (quantize_st, diff, embed_ind, -1)

# --- scband reference (transcript-rebuilt; emitter-appended) ---
"""Pipeline reference for scband-quantize-22754736734271 (READ-ONLY COPY).

The authoritative reference and input builder live on the scoring server;
editing this copy changes nothing except your own understanding.
"""

import jax, jax.numpy as jnp
import numpy as np

DIM = 256
N_EMBED = 8192

def setup_inputs(seed: int = 0) -> dict:
    key = jax.random.key(seed)
    k1, k2 = jax.random.split(key)
    inp = jax.random.normal(k1, (32, 1024, DIM), dtype=jnp.float32)
    embed = jax.random.normal(k2, (DIM, N_EMBED), dtype=jnp.float32)
    return {"input": inp, "embed": embed}

def reference(input, embed):
    # eval-mode forward of Quantize (EMA buffers not updated; num_used_codebooks = -1)
    flatten = input.reshape(-1, DIM)
    dist = (flatten ** 2).sum(axis=1, keepdims=True) - 2.0 * (flatten @ embed) + (embed ** 2).sum(axis=0, keepdims=True)
    embed_ind_flat = jnp.argmax(-dist, axis=1)
    embed_ind = embed_ind_flat.reshape(input.shape[:-1])
    # embed_code: F.embedding(embed_id, embed.T)
    quantize = jnp.take(embed.T, embed_ind, axis=0)
    diff = jnp.mean((jax.lax.stop_gradient(quantize) - input) ** 2)
    quantize_st = input + jax.lax.stop_gradient(quantize - input)
    num_used_codebooks = -1
    return (quantize_st, diff, embed_ind, num_used_codebooks)

if __name__ == "__main__":
    import jax
    _d = setup_inputs()
    print(jax.jit(kernel)(*tuple(_d.values())))

</pallas_src>

<mosaic_0001>
#map = affine_map<(d0, d1) -> (0, 0)>
module attributes {stable_mosaic.version = 14 : i64} {
  func.func @k(%arg0: i32, %arg1: i32, %arg2: memref<8192x256xf32, #tpu.memory_space<hbm>>, %arg3: memref<512x64xi32, #tpu.memory_space<hbm>>, %arg4: memref<32768x256xf32, #tpu.memory_space<hbm>>, %arg5: memref<16x64xi32, #tpu.memory_space<vmem>>, %arg6: memref<64x256xf32, #tpu.memory_space<vmem>>, %arg7: memref<64x256xf32, #tpu.memory_space<vmem>>, %arg8: memref<64x256xf32, #tpu.memory_space<vmem>>, %arg9: memref<64x256xf32, #tpu.memory_space<vmem>>, %arg10: memref<64x256xf32, #tpu.memory_space<vmem>>, %arg11: memref<64x256xf32, #tpu.memory_space<vmem>>, %arg12: memref<6x!tpu.dma_semaphore, #tpu.memory_space<semaphore_mem>>, %arg13: memref<6x!tpu.dma_semaphore, #tpu.memory_space<semaphore_mem>>, %arg14: memref<!tpu.dma_semaphore, #tpu.memory_space<semaphore_mem>>) attributes {dimension_semantics = [#tpu.dimension_semantics<core_parallel>, #tpu.dimension_semantics<subcore_parallel>], iteration_bounds = array<i64: 2, 16>, scalar_prefetch = 0 : i64, scratch_operands = 10 : i64, tpu.core_type = #tpu.core_type<sc_vector_subcore>, window_params = [{transform_indices = #map}, {transform_indices = #map}, {transform_indices = #map}]} {
    %mul3A = arith.constant 2 : i32
    %mul3A_0 = arith.muli %arg1, %mul3A : i32
    %add3A = arith.addi %mul3A_0, %arg0 : i32
    %mul3A_1 = arith.constant 1024 : i32
    %mul3A_2 = arith.muli %add3A, %mul3A_1 : i32
    %mul3A_3 = arith.constant 16 : i32
    %mul3A_4 = arith.muli %add3A, %mul3A_3 : i32
    %dma_start3A = arith.constant 0 : i32
    %dma_start3A_5 = tpu.memref_slice %arg3[%mul3A_4, %dma_start3A] : memref<512x64xi32, #tpu.memory_space<hbm>> -> memref<16x64xi32, #tpu.memory_space<hbm>>
    %dma_start3A_6 = arith.constant 0 : i32
    %dma_start3A_7 = tpu.memref_slice %arg3[%mul3A_4, %dma_start3A_6] : memref<512x64xi32, #tpu.memory_space<hbm>> -> memref<16x64xi32, #tpu.memory_space<hbm>>
    tpu.enqueue_dma source(%dma_start3A_7 : memref<16x64xi32, #tpu.memory_space<hbm>>) target(%arg5 : memref<16x64xi32, #tpu.memory_space<vmem>>) target_semaphore(%arg14 : memref<!tpu.dma_semaphore, #tpu.memory_space<semaphore_mem>>)
    %dma_wait3A = arith.constant 0 : i32
    %dma_wait3A_8 = tpu.memref_slice %arg3[%mul3A_4, %dma_wait3A] : memref<512x64xi32, #tpu.memory_space<hbm>> -> memref<16x64xi32, #tpu.memory_space<hbm>>
    %dma_wait3A_9 = arith.constant 0 : i32
    %dma_wait3A_10 = tpu.memref_slice %arg3[%mul3A_4, %dma_wait3A_9] : memref<512x64xi32, #tpu.memory_space<hbm>> -> memref<16x64xi32, #tpu.memory_space<hbm>>
    tpu.wait_dma2 semaphore(%arg14 : memref<!tpu.dma_semaphore, #tpu.memory_space<semaphore_mem>>) src(%dma_wait3A_10 : memref<16x64xi32, #tpu.memory_space<hbm>>) dst(%arg5 : memref<16x64xi32, #tpu.memory_space<vmem>>)
    %dma_start3A_11 = arith.constant 0 : i32
    %dma_start3A_12 = arith.constant 0 : i32
    %dma_start3A_13 = arith.constant 0 : i32
    %dma_start3A_14 = tpu.memref_slice %arg5[%dma_start3A_11, %dma_start3A_13] : memref<16x64xi32, #tpu.memory_space<vmem>> -> memref<1x64xi32, #tpu.memory_space<vmem>>
    %dma_start3A_15 = tpu.memref_squeeze %dma_start3A_14 : memref<1x64xi32, #tpu.memory_space<vmem>> -> memref<64xi32, #tpu.memory_space<vmem>>
    %dma_start3A_16 = arith.constant 0 : i32
    %dma_start3A_17 = arith.constant 0 : i32
    %dma_start3A_18 = tpu.memref_slice %arg2[%dma_start3A_16, %dma_start3A_17] : memref<8192x256xf32, #tpu.memory_space<hbm>> -> memref<8192x256xf32, #tpu.memory_space<hbm>>
    %dma_start3A_19 = tpu.memref_slice %arg12[%dma_start3A_12] : memref<6x!tpu.dma_semaphore, #tpu.memory_space<semaphore_mem>> -> memref<1x!tpu.dma_semaphore, #tpu.memory_space<semaphore_mem>>
    %dma_start3A_20 = tpu.memref_squeeze %dma_start3A_19 : memref<1x!tpu.dma_semaphore, #tpu.memory_space<semaphore_mem>> -> memref<!tpu.dma_semaphore, #tpu.memory_space<semaphore_mem>>
    tpu.enqueue_indirect_dma source(%dma_start3A_18 : memref<8192x256xf32, #tpu.memory_space<hbm>>) target(%arg6 : memref<64x256xf32, #tpu.memory_space<vmem>>) offsets(%dma_start3A_15 : memref<64xi32, #tpu.memory_space<vmem>>) semaphore(%dma_start3A_20 : memref<!tpu.dma_semaphore, #tpu.memory_space<semaphore_mem>>)
    %dma_start3A_21 = arith.constant 1 : i32
    %dma_start3A_22 = arith.constant 1 : i32
    %dma_start3A_23 = arith.constant 0 : i32
    %dma_start3A_24 = tpu.memref_slice %arg5[%dma_start3A_21, %dma_start3A_23] : memref<16x64xi32, #tpu.memory_space<vmem>> -> memref<1x64xi32, #tpu.memory_space<vmem>>
    %dma_start3A_25 = tpu.memref_squeeze %dma_start3A_24 : memref<1x64xi32, #tpu.memory_space<vmem>> -> memref<64xi32, #tpu.memory_space<vmem>>
    %dma_start3A_26 = arith.constant 0 : i32
    %dma_start3A_27 = arith.constant 0 : i32
    %dma_start3A_28 = tpu.memref_slice %arg2[%dma_start3A_26, %dma_start3A_27] : memref<8192x256xf32, #tpu.memory_space<hbm>> -> memref<8192x256xf32, #tpu.memory_space<hbm>>
    %dma_start3A_29 = tpu.memref_slice %arg12[%dma_start3A_22] : memref<6x!tpu.dma_semaphore, #tpu.memory_space<semaphore_mem>> -> memref<1x!tpu.dma_semaphore, #tpu.memory_space<semaphore_mem>>
    %dma_start3A_30 = tpu.memref_squeeze %dma_start3A_29 : memref<1x!tpu.dma_semaphore, #tpu.memory_space<semaphore_mem>> -> memref<!tpu.dma_semaphore, #tpu.memory_space<semaphore_mem>>
    tpu.enqueue_indirect_dma source(%dma_start3A_28 : memref<8192x256xf32, #tpu.memory_space<hbm>>) target(%arg7 : memref<64x256xf32, #tpu.memory_space<vmem>>) offsets(%dma_start3A_25 : memref<64xi32, #tpu.memory_space<vmem>>) semaphore(%dma_start3A_30 : memref<!tpu.dma_semaphore, #tpu.memory_space<semaphore_mem>>)
    %dma_start3A_31 = arith.constant 2 : i32
    %dma_start3A_32 = arith.constant 2 : i32
    %dma_start3A_33 = arith.constant 0 : i32
    %dma_start3A_34 = tpu.memref_slice %arg5[%dma_start3A_31, %dma_start3A_33] : memref<16x64xi32, #tpu.memory_space<vmem>> -> memref<1x64xi32, #tpu.memory_space<vmem>>
    %dma_start3A_35 = tpu.memref_squeeze %dma_start3A_34 : memref<1x64xi32, #tpu.memory_space<vmem>> -> memref<64xi32, #tpu.memory_space<vmem>>
    %dma_start3A_36 = arith.constant 0 : i32
    %dma_start3A_37 = arith.constant 0 : i32
    %dma_start3A_38 = tpu.memref_slice %arg2[%dma_start3A_36, %dma_start3A_37] : memref<8192x256xf32, #tpu.memory_space<hbm>> -> memref<8192x256xf32, #tpu.memory_space<hbm>>
    %dma_start3A_39 = tpu.memref_slice %arg12[%dma_start3A_32] : memref<6x!tpu.dma_semaphore, #tpu.memory_space<semaphore_mem>> -> memref<1x!tpu.dma_semaphore, #tpu.memory_space<semaphore_mem>>
    %dma_start3A_40 = tpu.memref_squeeze %dma_start3A_39 : memref<1x!tpu.dma_semaphore, #tpu.memory_space<semaphore_mem>> -> memref<!tpu.dma_semaphore, #tpu.memory_space<semaphore_mem>>
    tpu.enqueue_indirect_dma source(%dma_start3A_38 : memref<8192x256xf32, #tpu.memory_space<hbm>>) target(%arg8 : memref<64x256xf32, #tpu.memory_space<vmem>>) offsets(%dma_start3A_35 : memref<64xi32, #tpu.memory_space<vmem>>) semaphore(%dma_start3A_40 : memref<!tpu.dma_semaphore, #tpu.memory_space<semaphore_mem>>)
    %dma_wait3A_41 = arith.constant 0 : i32
    %dma_wait3A_42 = arith.constant 0 : i32
    %dma_wait3A_43 = arith.constant 0 : i32
    %dma_wait3A_44 = tpu.memref_slice %arg5[%dma_wait3A_41, %dma_wait3A_43] : memref<16x64xi32, #tpu.memory_space<vmem>> -> memref<1x64xi32, #tpu.memory_space<vmem>>
    %dma_wait3A_45 = tpu.memref_squeeze %dma_wait3A_44 : memref<1x64xi32, #tpu.memory_space<vmem>> -> memref<64xi32, #tpu.memory_space<vmem>>
    %dma_wait3A_46 = arith.constant 0 : i32
    %dma_wait3A_47 = arith.constant 0 : i32
    %dma_wait3A_48 = tpu.memref_slice %arg2[%dma_wait3A_46, %dma_wait3A_47] : memref<8192x256xf32, #tpu.memory_space<hbm>> -> memref<8192x256xf32, #tpu.memory_space<hbm>>
    %dma_wait3A_49 = tpu.memref_slice %arg12[%dma_wait3A_42] : memref<6x!tpu.dma_semaphore, #tpu.memory_space<semaphore_mem>> -> memref<1x!tpu.dma_semaphore, #tpu.memory_space<semaphore_mem>>
    %dma_wait3A_50 = tpu.memref_squeeze %dma_wait3A_49 : memref<1x!tpu.dma_semaphore, #tpu.memory_space<semaphore_mem>> -> memref<!tpu.dma_semaphore, #tpu.memory_space<semaphore_mem>>
    tpu.wait_indirect_dma semaphore(%dma_wait3A_50 : memref<!tpu.dma_semaphore, #tpu.memory_space<semaphore_mem>>) src(%dma_wait3A_48 : memref<8192x256xf32, #tpu.memory_space<hbm>>) dst(%arg6 : memref<64x256xf32, #tpu.memory_space<vmem>>)
    %add3A_51 = arith.constant 0 : i32
    %add3A_52 = arith.addi %mul3A_2, %add3A_51 : i32
    %dma_start3A_53 = arith.constant 0 : i32
    %dma_start3A_54 = arith.constant 0 : i32
    %dma_start3A_55 = tpu.memref_slice %arg4[%add3A_52, %dma_start3A_54] : memref<32768x256xf32, #tpu.memory_space<hbm>> -> memref<64x256xf32, #tpu.memory_space<hbm>>
    %dma_start3A_56 = tpu.memref_slice %arg13[%dma_start3A_53] : memref<6x!tpu.dma_semaphore, #tpu.memory_space<semaphore_mem>> -> memref<1x!tpu.dma_semaphore, #tpu.memory_space<semaphore_mem>>
    %dma_start3A_57 = tpu.memref_squeeze %dma_start3A_56 : memref<1x!tpu.dma_semaphore, #tpu.memory_space<semaphore_mem>> -> memref<!tpu.dma_semaphore, #tpu.memory_space<semaphore_mem>>
    %dma_start3A_58 = arith.constant 0 : i32
    %dma_start3A_59 = tpu.memref_slice %arg4[%add3A_52, %dma_start3A_58] : memref<32768x256xf32, #tpu.memory_space<hbm>> -> memref<64x256xf32, #tpu.memory_space<hbm>>
    tpu.enqueue_dma source(%arg6 : memref<64x256xf32, #tpu.memory_space<vmem>>) target(%dma_start3A_59 : memref<64x256xf32, #tpu.memory_space<hbm>>) target_semaphore(%dma_start3A_57 : memref<!tpu.dma_semaphore, #tpu.memory_space<semaphore_mem>>)
    %dma_start3A_60 = arith.constant 3 : i32
    %dma_start3A_61 = arith.constant 3 : i32
    %dma_start3A_62 = arith.constant 0 : i32
    %dma_start3A_63 = tpu.memref_slice %arg5[%dma_start3A_60, %dma_start3A_62] : memref<16x64xi32, #tpu.memory_space<vmem>> -> memref<1x64xi32, #tpu.memory_space<vmem>>
    %dma_start3A_64 = tpu.memref_squeeze %dma_start3A_63 : memref<1x64xi32, #tpu.memory_space<vmem>> -> memref<64xi32, #tpu.memory_space<vmem>>
    %dma_start3A_65 = arith.constant 0 : i32
    %dma_start3A_66 = arith.constant 0 : i32
    %dma_start3A_67 = tpu.memref_slice %arg2[%dma_start3A_65, %dma_start3A_66] : memref<8192x256xf32, #tpu.memory_space<hbm>> -> memref<8192x256xf32, #tpu.memory_space<hbm>>
    %dma_start3A_68 = tpu.memref_slice %arg12[%dma_start3A_61] : memref<6x!tpu.dma_semaphore, #tpu.memory_space<semaphore_mem>> -> memref<1x!tpu.dma_semaphore, #tpu.memory_space<semaphore_mem>>
    %dma_start3A_69 = tpu.memref_squeeze %dma_start3A_68 : memref<1x!tpu.dma_semaphore, #tpu.memory_space<semaphore_mem>> -> memref<!tpu.dma_semaphore, #tpu.memory_space<semaphore_mem>>
    tpu.enqueue_indirect_dma source(%dma_start3A_67 : memref<8192x256xf32, #tpu.memory_space<hbm>>) target(%arg9 : memref<64x256xf32, #tpu.memory_space<vmem>>) offsets(%dma_start3A_64 : memref<64xi32, #tpu.memory_space<vmem>>) semaphore(%dma_start3A_69 : memref<!tpu.dma_semaphore, #tpu.memory_space<semaphore_mem>>)
    %dma_wait3A_70 = arith.constant 1 : i32
    %dma_wait3A_71 = arith.constant 1 : i32
    %dma_wait3A_72 = arith.constant 0 : i32
    %dma_wait3A_73 = tpu.memref_slice %arg5[%dma_wait3A_70, %dma_wait3A_72] : memref<16x64xi32, #tpu.memory_space<vmem>> -> memref<1x64xi32, #tpu.memory_space<vmem>>
    %dma_wait3A_74 = tpu.memref_squeeze %dma_wait3A_73 : memref<1x64xi32, #tpu.memory_space<vmem>> -> memref<64xi32, #tpu.memory_space<vmem>>
    %dma_wait3A_75 = arith.constant 0 : i32
    %dma_wait3A_76 = arith.constant 0 : i32
    %dma_wait3A_77 = tpu.memref_slice %arg2[%dma_wait3A_75, %dma_wait3A_76] : memref<8192x256xf32, #tpu.memory_space<hbm>> -> memref<8192x256xf32, #tpu.memory_space<hbm>>
    %dma_wait3A_78 = tpu.memref_slice %arg12[%dma_wait3A_71] : memref<6x!tpu.dma_semaphore, #tpu.memory_space<semaphore_mem>> -> memref<1x!tpu.dma_semaphore, #tpu.memory_space<semaphore_mem>>
    %dma_wait3A_79 = tpu.memref_squeeze %dma_wait3A_78 : memref<1x!tpu.dma_semaphore, #tpu.memory_space<semaphore_mem>> -> memref<!tpu.dma_semaphore, #tpu.memory_space<semaphore_mem>>
    tpu.wait_indirect_dma semaphore(%dma_wait3A_79 : memref<!tpu.dma_semaphore, #tpu.memory_space<semaphore_mem>>) src(%dma_wait3A_77 : memref<8192x256xf32, #tpu.memory_space<hbm>>) dst(%arg7 : memref<64x256xf32, #tpu.memory_space<vmem>>)
    %add3A_80 = arith.constant 64 : i32
    %add3A_81 = arith.addi %mul3A_2, %add3A_80 : i32
    %dma_start3A_82 = arith.constant 1 : i32
    %dma_start3A_83 = arith.constant 0 : i32
    %dma_start3A_84 = tpu.memref_slice %arg4[%add3A_81, %dma_start3A_83] : memref<32768x256xf32, #tpu.memory_space<hbm>> -> memref<64x256xf32, #tpu.memory_space<hbm>>
    %dma_start3A_85 = tpu.memref_slice %arg13[%dma_start3A_82] : memref<6x!tpu.dma_semaphore, #tpu.memory_space<semaphore_mem>> -> memref<1x!tpu.dma_semaphore, #tpu.memory_space<semaphore_mem>>
    %dma_start3A_86 = tpu.memref_squeeze %dma_start3A_85 : memref<1x!tpu.dma_semaphore, #tpu.memory_space<semaphore_mem>> -> memref<!tpu.dma_semaphore, #tpu.memory_space<semaphore_mem>>
    %dma_start3A_87 = arith.constant 0 : i32
    %dma_start3A_88 = tpu.memref_slice %arg4[%add3A_81, %dma_start3A_87] : memref<32768x256xf32, #tpu.memory_space<hbm>> -> memref<64x256xf32, #tpu.memory_space<hbm>>
    tpu.enqueue_dma source(%arg7 : memref<64x256xf32, #tpu.memory_space<vmem>>) target(%dma_start3A_88 : memref<64x256xf32, #tpu.memory_space<hbm>>) target_semaphore(%dma_start3A_86 : memref<!tpu.dma_semaphore, #tpu.memory_space<semaphore_mem>>)
    %dma_start3A_89 = arith.constant 4 : i32
    %dma_start3A_90 = arith.constant 4 : i32
    %dma_start3A_91 = arith.constant 0 : i32
    %dma_start3A_92 = tpu.memref_slice %arg5[%dma_start3A_89, %dma_start3A_91] : memref<16x64xi32, #tpu.memory_space<vmem>> -> memref<1x64xi32, #tpu.memory_space<vmem>>
    %dma_start3A_93 = tpu.memref_squeeze %dma_start3A_92 : memref<1x64xi32, #tpu.memory_space<vmem>> -> memref<64xi32, #tpu.memory_space<vmem>>
    %dma_start3A_94 = arith.constant 0 : i32
    %dma_start3A_95 = arith.constant 0 : i32
    %dma_start3A_96 = tpu.memref_slice %arg2[%dma_start3A_94, %dma_start3A_95] : memref<8192x256xf32, #tpu.memory_space<hbm>> -> memref<8192x256xf32, #tpu.memory_space<hbm>>
    %dma_start3A_97 = tpu.memref_slice %arg12[%dma_start3A_90] : memref<6x!tpu.dma_semaphore, #tpu.memory_space<semaphore_mem>> -> memref<1x!tpu.dma_semaphore, #tpu.memory_space<semaphore_mem>>
    %dma_start3A_98 = tpu.memref_squeeze %dma_start3A_97 : memref<1x!tpu.dma_semaphore, #tpu.memory_space<semaphore_mem>> -> memref<!tpu.dma_semaphore, #tpu.memory_space<semaphore_mem>>
    tpu.enqueue_indirect_dma source(%dma_start3A_96 : memref<8192x256xf32, #tpu.memory_space<hbm>>) target(%arg10 : memref<64x256xf32, #tpu.memory_space<vmem>>) offsets(%dma_start3A_93 : memref<64xi32, #tpu.memory_space<vmem>>) semaphore(%dma_start3A_98 : memref<!tpu.dma_semaphore, #tpu.memory_space<semaphore_mem>>)
    %dma_wait3A_99 = arith.constant 2 : i32
    %dma_wait3A_100 = arith.constant 2 : i32
    %dma_wait3A_101 = arith.constant 0 : i32
    %dma_wait3A_102 = tpu.memref_slice %arg5[%dma_wait3A_99, %dma_wait3A_101] : memref<16x64xi32, #tpu.memory_space<vmem>> -> memref<1x64xi32, #tpu.memory_space<vmem>>
    %dma_wait3A_103 = tpu.memref_squeeze %dma_wait3A_102 : memref<1x64xi32, #tpu.memory_space<vmem>> -> memref<64xi32, #tpu.memory_space<vmem>>
    %dma_wait3A_104 = arith.constant 0 : i32
    %dma_wait3A_105 = arith.constant 0 : i32
    %dma_wait3A_106 = tpu.memref_slice %arg2[%dma_wait3A_104, %dma_wait3A_105] : memref<8192x256xf32, #tpu.memory_space<hbm>> -> memref<8192x256xf32, #tpu.memory_space<hbm>>
    %dma_wait3A_107 = tpu.memref_slice %arg12[%dma_wait3A_100] : memref<6x!tpu.dma_semaphore, #tpu.memory_space<semaphore_mem>> -> memref<1x!tpu.dma_semaphore, #tpu.memory_space<semaphore_mem>>
    %dma_wait3A_108 = tpu.memref_squeeze %dma_wait3A_107 : memref<1x!tpu.dma_semaphore, #tpu.memory_space<semaphore_mem>> -> memref<!tpu.dma_semaphore, #tpu.memory_space<semaphore_mem>>
    tpu.wait_indirect_dma semaphore(%dma_wait3A_108 : memref<!tpu.dma_semaphore, #tpu.memory_space<semaphore_mem>>) src(%dma_wait3A_106 : memref<8192x256xf32, #tpu.memory_space<hbm>>) dst(%arg8 : memref<64x256xf32, #tpu.memory_space<vmem>>)
    %add3A_109 = arith.constant 128 : i32
    %add3A_110 = arith.addi %mul3A_2, %add3A_109 : i32
    %dma_start3A_111 = arith.constant 2 : i32
    %dma_start3A_112 = arith.constant 0 : i32
    %dma_start3A_113 = tpu.memref_slice %arg4[%add3A_110, %dma_start3A_112] : memref<32768x256xf32, #tpu.memory_space<hbm>> -> memref<64x256xf32, #tpu.memory_space<hbm>>
    %dma_start3A_114 = tpu.memref_slice %arg13[%dma_start3A_111] : memref<6x!tpu.dma_semaphore, #tpu.memory_space<semaphore_mem>> -> memref<1x!tpu.dma_semaphore, #tpu.memory_space<semaphore_mem>>
    %dma_start3A_115 = tpu.memref_squeeze %dma_start3A_114 : memref<1x!tpu.dma_semaphore, #tpu.memory_space<semaphore_mem>> -> memref<!tpu.dma_semaphore, #tpu.memory_space<semaphore_mem>>
    %dma_start3A_116 = arith.constant 0 : i32
    %dma_start3A_117 = tpu.memref_slice %arg4[%add3A_110, %dma_start3A_116] : memref<32768x256xf32, #tpu.memory_space<hbm>> -> memref<64x256xf32, #tpu.memory_space<hbm>>
    tpu.enqueue_dma source(%arg8 : memref<64x256xf32, #tpu.memory_space<vmem>>) target(%dma_start3A_117 : memref<64x256xf32, #tpu.memory_space<hbm>>) target_semaphore(%dma_start3A_115 : memref<!tpu.dma_semaphore, #tpu.memory_space<semaphore_mem>>)
    %dma_start3A_118 = arith.constant 5 : i32
    %dma_start3A_119 = arith.constant 5 : i32
    %dma_start3A_120 = arith.constant 0 : i32
    %dma_start3A_121 = tpu.memref_slice %arg5[%dma_start3A_118, %dma_start3A_120] : memref<16x64xi32, #tpu.memory_space<vmem>> -> memref<1x64xi32, #tpu.memory_space<vmem>>
    %dma_start3A_122 = tpu.memref_squeeze %dma_start3A_121 : memref<1x64xi32, #tpu.memory_space<vmem>> -> memref<64xi32, #tpu.memory_space<vmem>>
    %dma_start3A_123 = arith.constant 0 : i32
    %dma_start3A_124 = arith.constant 0 : i32
    %dma_start3A_125 = tpu.memref_slice %arg2[%dma_start3A_123, %dma_start3A_124] : memref<8192x256xf32, #tpu.memory_space<hbm>> -> memref<8192x256xf32, #tpu.memory_space<hbm>>
    %dma_start3A_126 = tpu.memref_slice %arg12[%dma_start3A_119] : memref<6x!tpu.dma_semaphore, #tpu.memory_space<semaphore_mem>> -> memref<1x!tpu.dma_semaphore, #tpu.memory_space<semaphore_mem>>
    %dma_start3A_127 = tpu.memref_squeeze %dma_start3A_126 : memref<1x!tpu.dma_semaphore, #tpu.memory_space<semaphore_mem>> -> memref<!tpu.dma_semaphore, #tpu.memory_space<semaphore_mem>>
    tpu.enqueue_indirect_dma source(%dma_start3A_125 : memref<8192x256xf32, #tpu.memory_space<hbm>>) target(%arg11 : memref<64x256xf32, #tpu.memory_space<vmem>>) offsets(%dma_start3A_122 : memref<64xi32, #tpu.memory_space<vmem>>) semaphore(%dma_start3A_127 : memref<!tpu.dma_semaphore, #tpu.memory_space<semaphore_mem>>)
    %dma_wait3A_128 = arith.constant 3 : i32
    %dma_wait3A_129 = arith.constant 3 : i32
    %dma_wait3A_130 = arith.constant 0 : i32
    %dma_wait3A_131 = tpu.memref_slice %arg5[%dma_wait3A_128, %dma_wait3A_130] : memref<16x64xi32, #tpu.memory_space<vmem>> -> memref<1x64xi32, #tpu.memory_space<vmem>>
    %dma_wait3A_132 = tpu.memref_squeeze %dma_wait3A_131 : memref<1x64xi32, #tpu.memory_space<vmem>> -> memref<64xi32, #tpu.memory_space<vmem>>
    %dma_wait3A_133 = arith.constant 0 : i32
    %dma_wait3A_134 = arith.constant 0 : i32
    %dma_wait3A_135 = tpu.memref_slice %arg2[%dma_wait3A_133, %dma_wait3A_134] : memref<8192x256xf32, #tpu.memory_space<hbm>> -> memref<8192x256xf32, #tpu.memory_space<hbm>>
    %dma_wait3A_136 = tpu.memref_slice %arg12[%dma_wait3A_129] : memref<6x!tpu.dma_semaphore, #tpu.memory_space<semaphore_mem>> -> memref<1x!tpu.dma_semaphore, #tpu.memory_space<semaphore_mem>>
    %dma_wait3A_137 = tpu.memref_squeeze %dma_wait3A_136 : memref<1x!tpu.dma_semaphore, #tpu.memory_space<semaphore_mem>> -> memref<!tpu.dma_semaphore, #tpu.memory_space<semaphore_mem>>
    tpu.wait_indirect_dma semaphore(%dma_wait3A_137 : memref<!tpu.dma_semaphore, #tpu.memory_space<semaphore_mem>>) src(%dma_wait3A_135 : memref<8192x256xf32, #tpu.memory_space<hbm>>) dst(%arg9 : memref<64x256xf32, #tpu.memory_space<vmem>>)
    %add3A_138 = arith.constant 192 : i32
    %add3A_139 = arith.addi %mul3A_2, %add3A_138 : i32
    %dma_start3A_140 = arith.constant 3 : i32
    %dma_start3A_141 = arith.constant 0 : i32
    %dma_start3A_142 = tpu.memref_slice %arg4[%add3A_139, %dma_start3A_141] : memref<32768x256xf32, #tpu.memory_space<hbm>> -> memref<64x256xf32, #tpu.memory_space<hbm>>
    %dma_start3A_143 = tpu.memref_slice %arg13[%dma_start3A_140] : memref<6x!tpu.dma_semaphore, #tpu.memory_space<semaphore_mem>> -> memref<1x!tpu.dma_semaphore, #tpu.memory_space<semaphore_mem>>
    %dma_start3A_144 = tpu.memref_squeeze %dma_start3A_143 : memref<1x!tpu.dma_semaphore, #tpu.memory_space<semaphore_mem>> -> memref<!tpu.dma_semaphore, #tpu.memory_space<semaphore_mem>>
    %dma_start3A_145 = arith.constant 0 : i32
    %dma_start3A_146 = tpu.memref_slice %arg4[%add3A_139, %dma_start3A_145] : memref<32768x256xf32, #tpu.memory_space<hbm>> -> memref<64x256xf32, #tpu.memory_space<hbm>>
    tpu.enqueue_dma source(%arg9 : memref<64x256xf32, #tpu.memory_space<vmem>>) target(%dma_start3A_146 : memref<64x256xf32, #tpu.memory_space<hbm>>) target_semaphore(%dma_start3A_144 : memref<!tpu.dma_semaphore, #tpu.memory_space<semaphore_mem>>)
    %dma_wait3A_147 = arith.constant 0 : i32
    %dma_wait3A_148 = arith.constant 0 : i32
    %dma_wait3A_149 = tpu.memref_slice %arg4[%add3A_52, %dma_wait3A_148] : memref<32768x256xf32, #tpu.memory_space<hbm>> -> memref<64x256xf32, #tpu.memory_space<hbm>>
    %dma_wait3A_150 = tpu.memref_slice %arg13[%dma_wait3A_147] : memref<6x!tpu.dma_semaphore, #tpu.memory_space<semaphore_mem>> -> memref<1x!tpu.dma_semaphore, #tpu.memory_space<semaphore_mem>>
    %dma_wait3A_151 = tpu.memref_squeeze %dma_wait3A_150 : memref<1x!tpu.dma_semaphore, #tpu.memory_space<semaphore_mem>> -> memref<!tpu.dma_semaphore, #tpu.memory_space<semaphore_mem>>
    %dma_wait3A_152 = arith.constant 0 : i32
    %dma_wait3A_153 = tpu.memref_slice %arg4[%add3A_52, %dma_wait3A_152] : memref<32768x256xf32, #tpu.memory_space<hbm>> -> memref<64x256xf32, #tpu.memory_space<hbm>>
    tpu.wait_dma2 semaphore(%dma_wait3A_151 : memref<!tpu.dma_semaphore, #tpu.memory_space<semaphore_mem>>) src(%arg6 : memref<64x256xf32, #tpu.memory_space<vmem>>) dst(%dma_wait3A_153 : memref<64x256xf32, #tpu.memory_space<hbm>>)
    %dma_start3A_154 = arith.constant 6 : i32
    %dma_start3A_155 = arith.constant 0 : i32
    %dma_start3A_156 = arith.constant 0 : i32
    %dma_start3A_157 = tpu.memref_slice %arg5[%dma_start3A_154, %dma_start3A_156] : memref<16x64xi32, #tpu.memory_space<vmem>> -> memref<1x64xi32, #tpu.memory_space<vmem>>
    %dma_start3A_158 = tpu.memref_squeeze %dma_start3A_157 : memref<1x64xi32, #tpu.memory_space<vmem>> -> memref<64xi32, #tpu.memory_space<vmem>>
    %dma_start3A_159 = arith.constant 0 : i32
    %dma_start3A_160 = arith.constant 0 : i32
    %dma_start3A_161 = tpu.memref_slice %arg2[%dma_start3A_159, %dma_start3A_160] : memref<8192x256xf32, #tpu.memory_space<hbm>> -> memref<8192x256xf32, #tpu.memory_space<hbm>>
    %dma_start3A_162 = tpu.memref_slice %arg12[%dma_start3A_155] : memref<6x!tpu.dma_semaphore, #tpu.memory_space<semaphore_mem>> -> memref<1x!tpu.dma_semaphore, #tpu.memory_space<semaphore_mem>>
    %dma_start3A_163 = tpu.memref_squeeze %dma_start3A_162 : memref<1x!tpu.dma_semaphore, #tpu.memory_space<semaphore_mem>> -> memref<!tpu.dma_semaphore, #tpu.memory_space<semaphore_mem>>
    tpu.enqueue_indirect_dma source(%dma_start3A_161 : memref<8192x256xf32, #tpu.memory_space<hbm>>) target(%arg6 : memref<64x256xf32, #tpu.memory_space<vmem>>) offsets(%dma_start3A_158 : memref<64xi32, #tpu.memory_space<vmem>>) semaphore(%dma_start3A_163 : memref<!tpu.dma_semaphore, #tpu.memory_space<semaphore_mem>>)
    %dma_wait3A_164 = arith.constant 4 : i32
    %dma_wait3A_165 = arith.constant 4 : i32
    %dma_wait3A_166 = arith.constant 0 : i32
    %dma_wait3A_167 = tpu.memref_slice %arg5[%dma_wait3A_164, %dma_wait3A_166] : memref<16x64xi32, #tpu.memory_space<vmem>> -> memref<1x64xi32, #tpu.memory_space<vmem>>
    %dma_wait3A_168 = tpu.memref_squeeze %dma_wait3A_167 : memref<1x64xi32, #tpu.memory_space<vmem>> -> memref<64xi32, #tpu.memory_space<vmem>>
    %dma_wait3A_169 = arith.constant 0 : i32
    %dma_wait3A_170 = arith.constant 0 : i32
    %dma_wait3A_171 = tpu.memref_slice %arg2[%dma_wait3A_169, %dma_wait3A_170] : memref<8192x256xf32, #tpu.memory_space<hbm>> -> memref<8192x256xf32, #tpu.memory_space<hbm>>
    %dma_wait3A_172 = tpu.memref_slice %arg12[%dma_wait3A_165] : memref<6x!tpu.dma_semaphore, #tpu.memory_space<semaphore_mem>> -> memref<1x!tpu.dma_semaphore, #tpu.memory_space<semaphore_mem>>
    %dma_wait3A_173 = tpu.memref_squeeze %dma_wait3A_172 : memref<1x!tpu.dma_semaphore, #tpu.memory_space<semaphore_mem>> -> memref<!tpu.dma_semaphore, #tpu.memory_space<semaphore_mem>>
    tpu.wait_indirect_dma semaphore(%dma_wait3A_173 : memref<!tpu.dma_semaphore, #tpu.memory_space<semaphore_mem>>) src(%dma_wait3A_171 : memref<8192x256xf32, #tpu.memory_space<hbm>>) dst(%arg10 : memref<64x256xf32, #tpu.memory_space<vmem>>)
    %add3A_174 = arith.constant 256 : i32
    %add3A_175 = arith.addi %mul3A_2, %add3A_174 : i32
    %dma_start3A_176 = arith.constant 4 : i32
    %dma_start3A_177 = arith.constant 0 : i32
    %dma_start3A_178 = tpu.memref_slice %arg4[%add3A_175, %dma_start3A_177] : memref<32768x256xf32, #tpu.memory_space<hbm>> -> memref<64x256xf32, #tpu.memory_space<hbm>>
    %dma_start3A_179 = tpu.memref_slice %arg13[%dma_start3A_176] : memref<6x!tpu.dma_semaphore, #tpu.memory_space<semaphore_mem>> -> memref<1x!tpu.dma_semaphore, #tpu.memory_space<semaphore_mem>>
    %dma_start3A_180 = tpu.memref_squeeze %dma_start3A_179 : memref<1x!tpu.dma_semaphore, #tpu.memory_space<semaphore_mem>> -> memref<!tpu.dma_semaphore, #tpu.memory_space<semaphore_mem>>
    %dma_start3A_181 = arith.constant 0 : i32
    %dma_start3A_182 = tpu.memref_slice %arg4[%add3A_175, %dma_start3A_181] : memref<32768x256xf32, #tpu.memory_space<hbm>> -> memref<64x256xf32, #tpu.memory_space<hbm>>
    tpu.enqueue_dma source(%arg10 : memref<64x256xf32, #tpu.memory_space<vmem>>) target(%dma_start3A_182 : memref<64x256xf32, #tpu.memory_space<hbm>>) target_semaphore(%dma_start3A_180 : memref<!tpu.dma_semaphore, #tpu.memory_space<semaphore_mem>>)
    %dma_wait3A_183 = arith.constant 1 : i32
    %dma_wait3A_184 = arith.constant 0 : i32
    %dma_wait3A_185 = tpu.memref_slice %arg4[%add3A_81, %dma_wait3A_184] : memref<32768x256xf32, #tpu.memory_space<hbm>> -> memref<64x256xf32, #tpu.memory_space<hbm>>
    %dma_wait3A_186 = tpu.memref_slice %arg13[%dma_wait3A_183] : memref<6x!tpu.dma_semaphore, #tpu.memory_space<semaphore_mem>> -> memref<1x!tpu.dma_semaphore, #tpu.memory_space<semaphore_mem>>
    %dma_wait3A_187 = tpu.memref_squeeze %dma_wait3A_186 : memref<1x!tpu.dma_semaphore, #tpu.memory_space<semaphore_mem>> -> memref<!tpu.dma_semaphore, #tpu.memory_space<semaphore_mem>>
    %dma_wait3A_188 = arith.constant 0 : i32
    %dma_wait3A_189 = tpu.memref_slice %arg4[%add3A_81, %dma_wait3A_188] : memref<32768x256xf32, #tpu.memory_space<hbm>> -> memref<64x256xf32, #tpu.memory_space<hbm>>
    tpu.wait_dma2 semaphore(%dma_wait3A_187 : memref<!tpu.dma_semaphore, #tpu.memory_space<semaphore_mem>>) src(%arg7 : memref<64x256xf32, #tpu.memory_space<vmem>>) dst(%dma_wait3A_189 : memref<64x256xf32, #tpu.memory_space<hbm>>)
    %dma_start3A_190 = arith.constant 7 : i32
    %dma_start3A_191 = arith.constant 1 : i32
    %dma_start3A_192 = arith.constant 0 : i32
    %dma_start3A_193 = tpu.memref_slice %arg5[%dma_start3A_190, %dma_start3A_192] : memref<16x64xi32, #tpu.memory_space<vmem>> -> memref<1x64xi32, #tpu.memory_space<vmem>>
    %dma_start3A_194 = tpu.memref_squeeze %dma_start3A_193 : memref<1x64xi32, #tpu.memory_space<vmem>> -> memref<64xi32, #tpu.memory_space<vmem>>
    %dma_start3A_195 = arith.constant 0 : i32
    %dma_start3A_196 = arith.constant 0 : i32
    %dma_start3A_197 = tpu.memref_slice %arg2[%dma_start3A_195, %dma_start3A_196] : memref<8192x256xf32, #tpu.memory_space<hbm>> -> memref<8192x256xf32, #tpu.memory_space<hbm>>
    %dma_start3A_198 = tpu.memref_slice %arg12[%dma_start3A_191] : memref<6x!tpu.dma_semaphore, #tpu.memory_space<semaphore_mem>> -> memref<1x!tpu.dma_semaphore, #tpu.memory_space<semaphore_mem>>
    %dma_start3A_199 = tpu.memref_squeeze %dma_start3A_198 : memref<1x!tpu.dma_semaphore, #tpu.memory_space<semaphore_mem>> -> memref<!tpu.dma_semaphore, #tpu.memory_space<semaphore_mem>>
    tpu.enqueue_indirect_dma source(%dma_start3A_197 : memref<8192x256xf32, #tpu.memory_space<hbm>>) target(%arg7 : memref<64x256xf32, #tpu.memory_space<vmem>>) offsets(%dma_start3A_194 : memref<64xi32, #tpu.memory_space<vmem>>) semaphore(%dma_start3A_199 : memref<!tpu.dma_semaphore, #tpu.memory_space<semaphore_mem>>)
    %dma_wait3A_200 = arith.constant 5 : i32
    %dma_wait3A_201 = arith.constant 5 : i32
    %dma_wait3A_202 = arith.constant 0 : i32
    %dma_wait3A_203 = tpu.memref_slice %arg5[%dma_wait3A_200, %dma_wait3A_202] : memref<16x64xi32, #tpu.memory_space<vmem>> -> memref<1x64xi32, #tpu.memory_space<vmem>>
    %dma_wait3A_204 = tpu.memref_squeeze %dma_wait3A_203 : memref<1x64xi32, #tpu.memory_space<vmem>> -> memref<64xi32, #tpu.memory_space<vmem>>
    %dma_wait3A_205 = arith.constant 0 : i32
    %dma_wait3A_206 = arith.constant 0 : i32
    %dma_wait3A_207 = tpu.memref_slice %arg2[%dma_wait3A_205, %dma_wait3A_206] : memref<8192x256xf32, #tpu.memory_space<hbm>> -> memref<8192x256xf32, #tpu.memory_space<hbm>>
    %dma_wait3A_208 = tpu.memref_slice %arg12[%dma_wait3A_201] : memref<6x!tpu.dma_semaphore, #tpu.memory_space<semaphore_mem>> -> memref<1x!tpu.dma_semaphore, #tpu.memory_space<semaphore_mem>>
    %dma_wait3A_209 = tpu.memref_squeeze %dma_wait3A_208 : memref<1x!tpu.dma_semaphore, #tpu.memory_space<semaphore_mem>> -> memref<!tpu.dma_semaphore, #tpu.memory_space<semaphore_mem>>
    tpu.wait_indirect_dma semaphore(%dma_wait3A_209 : memref<!tpu.dma_semaphore, #tpu.memory_space<semaphore_mem>>) src(%dma_wait3A_207 : memref<8192x256xf32, #tpu.memory_space<hbm>>) dst(%arg11 : memref<64x256xf32, #tpu.memory_space<vmem>>)
    %add3A_210 = arith.constant 320 : i32
    %add3A_211 = arith.addi %mul3A_2, %add3A_210 : i32
    %dma_start3A_212 = arith.constant 5 : i32
    %dma_start3A_213 = arith.constant 0 : i32
    %dma_start3A_214 = tpu.memref_slice %arg4[%add3A_211, %dma_start3A_213] : memref<32768x256xf32, #tpu.memory_space<hbm>> -> memref<64x256xf32, #tpu.memory_space<hbm>>
    %dma_start3A_215 = tpu.memref_slice %arg13[%dma_start3A_212] : memref<6x!tpu.dma_semaphore, #tpu.memory_space<semaphore_mem>> -> memref<1x!tpu.dma_semaphore, #tpu.memory_space<semaphore_mem>>
    %dma_start3A_216 = tpu.memref_squeeze %dma_start3A_215 : memref<1x!tpu.dma_semaphore, #tpu.memory_space<semaphore_mem>> -> memref<!tpu.dma_semaphore, #tpu.memory_space<semaphore_mem>>
    %dma_start3A_217 = arith.constant 0 : i32
    %dma_start3A_218 = tpu.memref_slice %arg4[%add3A_211, %dma_start3A_217] : memref<32768x256xf32, #tpu.memory_space<hbm>> -> memref<64x256xf32, #tpu.memory_space<hbm>>
    tpu.enqueue_dma source(%arg11 : memref<64x256xf32, #tpu.memory_space<vmem>>) target(%dma_start3A_218 : memref<64x256xf32, #tpu.memory_space<hbm>>) target_semaphore(%dma_start3A_216 : memref<!tpu.dma_semaphore, #tpu.memory_space<semaphore_mem>>)
    %dma_wait3A_219 = arith.constant 2 : i32
    %dma_wait3A_220 = arith.constant 0 : i32
    %dma_wait3A_221 = tpu.memref_slice %arg4[%add3A_110, %dma_wait3A_220] : memref<32768x256xf32, #tpu.memory_space<hbm>> -> memref<64x256xf32, #tpu.memory_space<hbm>>
    %dma_wait3A_222 = tpu.memref_slice %arg13[%dma_wait3A_219] : memref<6x!tpu.dma_semaphore, #tpu.memory_space<semaphore_mem>> -> memref<1x!tpu.dma_semaphore, #tpu.memory_space<semaphore_mem>>
    %dma_wait3A_223 = tpu.memref_squeeze %dma_wait3A_222 : memref<1x!tpu.dma_semaphore, #tpu.memory_space<semaphore_mem>> -> memref<!tpu.dma_semaphore, #tpu.memory_space<semaphore_mem>>
    %dma_wait3A_224 = arith.constant 0 : i32
    %dma_wait3A_225 = tpu.memref_slice %arg4[%add3A_110, %dma_wait3A_224] : memref<32768x256xf32, #tpu.memory_space<hbm>> -> memref<64x256xf32, #tpu.memory_space<hbm>>
    tpu.wait_dma2 semaphore(%dma_wait3A_223 : memref<!tpu.dma_semaphore, #tpu.memory_space<semaphore_mem>>) src(%arg8 : memref<64x256xf32, #tpu.memory_space<vmem>>) dst(%dma_wait3A_225 : memref<64x256xf32, #tpu.memory_space<hbm>>)
    %dma_start3A_226 = arith.constant 8 : i32
    %dma_start3A_227 = arith.constant 2 : i32
    %dma_start3A_228 = arith.constant 0 : i32
    %dma_start3A_229 = tpu.memref_slice %arg5[%dma_start3A_226, %dma_start3A_228] : memref<16x64xi32, #tpu.memory_space<vmem>> -> memref<1x64xi32, #tpu.memory_space<vmem>>
    %dma_start3A_230 = tpu.memref_squeeze %dma_start3A_229 : memref<1x64xi32, #tpu.memory_space<vmem>> -> memref<64xi32, #tpu.memory_space<vmem>>
    %dma_start3A_231 = arith.constant 0 : i32
    %dma_start3A_232 = arith.constant 0 : i32
    %dma_start3A_233 = tpu.memref_slice %arg2[%dma_start3A_231, %dma_start3A_232] : memref<8192x256xf32, #tpu.memory_space<hbm>> -> memref<8192x256xf32, #tpu.memory_space<hbm>>
    %dma_start3A_234 = tpu.memref_slice %arg12[%dma_start3A_227] : memref<6x!tpu.dma_semaphore, #tpu.memory_space<semaphore_mem>> -> memref<1x!tpu.dma_semaphore, #tpu.memory_space<semaphore_mem>>
    %dma_start3A_235 = tpu.memref_squeeze %dma_start3A_234 : memref<1x!tpu.dma_semaphore, #tpu.memory_space<semaphore_mem>> -> memref<!tpu.dma_semaphore, #tpu.memory_space<semaphore_mem>>
    tpu.enqueue_indirect_dma source(%dma_start3A_233 : memref<8192x256xf32, #tpu.memory_space<hbm>>) target(%arg8 : memref<64x256xf32, #tpu.memory_space<vmem>>) offsets(%dma_start3A_230 : memref<64xi32, #tpu.memory_space<vmem>>) semaphore(%dma_start3A_235 : memref<!tpu.dma_semaphore, #tpu.memory_space<semaphore_mem>>)
    %dma_wait3A_236 = arith.constant 6 : i32
    %dma_wait3A_237 = arith.constant 0 : i32
    %dma_wait3A_238 = arith.constant 0 : i32
    %dma_wait3A_239 = tpu.memref_slice %arg5[%dma_wait3A_236, %dma_wait3A_238] : memref<16x64xi32, #tpu.memory_space<vmem>> -> memref<1x64xi32, #tpu.memory_space<vmem>>
    %dma_wait3A_240 = tpu.memref_squeeze %dma_wait3A_239 : memref<1x64xi32, #tpu.memory_space<vmem>> -> memref<64xi32, #tpu.memory_space<vmem>>
    %dma_wait3A_241 = arith.constant 0 : i32
    %dma_wait3A_242 = arith.constant 0 : i32
    %dma_wait3A_243 = tpu.memref_slice %arg2[%dma_wait3A_241, %dma_wait3A_242] : memref<8192x256xf32, #tpu.memory_space<hbm>> -> memref<8192x256xf32, #tpu.memory_space<hbm>>
    %dma_wait3A_244 = tpu.memref_slice %arg12[%dma_wait3A_237] : memref<6x!tpu.dma_semaphore, #tpu.memory_space<semaphore_mem>> -> memref<1x!tpu.dma_semaphore, #tpu.memory_space<semaphore_mem>>
    %dma_wait3A_245 = tpu.memref_squeeze %dma_wait3A_244 : memref<1x!tpu.dma_semaphore, #tpu.memory_space<semaphore_mem>> -> memref<!tpu.dma_semaphore, #tpu.memory_space<semaphore_mem>>
    tpu.wait_indirect_dma semaphore(%dma_wait3A_245 : memref<!tpu.dma_semaphore, #tpu.memory_space<semaphore_mem>>) src(%dma_wait3A_243 : memref<8192x256xf32, #tpu.memory_space<hbm>>) dst(%arg6 : memref<64x256xf32, #tpu.memory_space<vmem>>)
    %add3A_246 = arith.constant 384 : i32
    %add3A_247 = arith.addi %mul3A_2, %add3A_246 : i32
    %dma_start3A_248 = arith.constant 0 : i32
    %dma_start3A_249 = arith.constant 0 : i32
    %dma_start3A_250 = tpu.memref_slice %arg4[%add3A_247, %dma_start3A_249] : memref<32768x256xf32, #tpu.memory_space<hbm>> -> memref<64x256xf32, #tpu.memory_space<hbm>>
    %dma_start3A_251 = tpu.memref_slice %arg13[%dma_start3A_248] : memref<6x!tpu.dma_semaphore, #tpu.memory_space<semaphore_mem>> -> memref<1x!tpu.dma_semaphore, #tpu.memory_space<semaphore_mem>>
    %dma_start3A_252 = tpu.memref_squeeze %dma_start3A_251 : memref<1x!tpu.dma_semaphore, #tpu.memory_space<semaphore_mem>> -> memref<!tpu.dma_semaphore, #tpu.memory_space<semaphore_mem>>
    %dma_start3A_253 = arith.constant 0 : i32
    %dma_start3A_254 = tpu.memref_slice %arg4[%add3A_247, %dma_start3A_253] : memref<32768x256xf32, #tpu.memory_space<hbm>> -> memref<64x256xf32, #tpu.memory_space<hbm>>
    tpu.enqueue_dma source(%arg6 : memref<64x256xf32, #tpu.memory_space<vmem>>) target(%dma_start3A_254 : memref<64x256xf32, #tpu.memory_space<hbm>>) target_semaphore(%dma_start3A_252 : memref<!tpu.dma_semaphore, #tpu.memory_space<semaphore_mem>>)
    %dma_wait3A_255 = arith.constant 3 : i32
    %dma_wait3A_256 = arith.constant 0 : i32
    %dma_wait3A_257 = tpu.memref_slice %arg4[%add3A_139, %dma_wait3A_256] : memref<32768x256xf32, #tpu.memory_space<hbm>> -> memref<64x256xf32, #tpu.memory_space<hbm>>
    %dma_wait3A_258 = tpu.memref_slice %arg13[%dma_wait3A_255] : memref<6x!tpu.dma_semaphore, #tpu.memory_space<semaphore_mem>> -> memref<1x!tpu.dma_semaphore, #tpu.memory_space<semaphore_mem>>
    %dma_wait3A_259 = tpu.memref_squeeze %dma_wait3A_258 : memref<1x!tpu.dma_semaphore, #tpu.memory_space<semaphore_mem>> -> memref<!tpu.dma_semaphore, #tpu.memory_space<semaphore_mem>>
    %dma_wait3A_260 = arith.constant 0 : i32
    %dma_wait3A_261 = tpu.memref_slice %arg4[%add3A_139, %dma_wait3A_260] : memref<32768x256xf32, #tpu.memory_space<hbm>> -> memref<64x256xf32, #tpu.memory_space<hbm>>
    tpu.wait_dma2 semaphore(%dma_wait3A_259 : memref<!tpu.dma_semaphore, #tpu.memory_space<semaphore_mem>>) src(%arg9 : memref<64x256xf32, #tpu.memory_space<vmem>>) dst(%dma_wait3A_261 : memref<64x256xf32, #tpu.memory_space<hbm>>)
    %dma_start3A_262 = arith.constant 9 : i32
    %dma_start3A_263 = arith.constant 3 : i32
    %dma_start3A_264 = arith.constant 0 : i32
    %dma_start3A_265 = tpu.memref_slice %arg5[%dma_start3A_262, %dma_start3A_264] : memref<16x64xi32, #tpu.memory_space<vmem>> -> memref<1x64xi32, #tpu.memory_space<vmem>>
    %dma_start3A_266 = tpu.memref_squeeze %dma_start3A_265 : memref<1x64xi32, #tpu.memory_space<vmem>> -> memref<64xi32, #tpu.memory_space<vmem>>
    %dma_start3A_267 = arith.constant 0 : i32
    %dma_start3A_268 = arith.constant 0 : i32
    %dma_start3A_269 = tpu.memref_slice %arg2[%dma_start3A_267, %dma_start3A_268] : memref<8192x256xf32, #tpu.memory_space<hbm>> -> memref<8192x256xf32, #tpu.memory_space<hbm>>
    %dma_start3A_270 = tpu.memref_slice %arg12[%dma_start3A_263] : memref<6x!tpu.dma_semaphore, #tpu.memory_space<semaphore_mem>> -> memref<1x!tpu.dma_semaphore, #tpu.memory_space<semaphore_mem>>
    %dma_start3A_271 = tpu.memref_squeeze %dma_start3A_270 : memref<1x!tpu.dma_semaphore, #tpu.memory_space<semaphore_mem>> -> memref<!tpu.dma_semaphore, #tpu.memory_space<semaphore_mem>>
    tpu.enqueue_indirect_dma source(%dma_start3A_269 : memref<8192x256xf32, #tpu.memory_space<hbm>>) target(%arg9 : memref<64x256xf32, #tpu.memory_space<vmem>>) offsets(%dma_start3A_266 : memref<64xi32, #tpu.memory_space<vmem>>) semaphore(%dma_start3A_271 : memref<!tpu.dma_semaphore, #tpu.memory_space<semaphore_mem>>)
    %dma_wait3A_272 = arith.constant 7 : i32
    %dma_wait3A_273 = arith.constant 1 : i32
    %dma_wait3A_274 = arith.constant 0 : i32
    %dma_wait3A_275 = tpu.memref_slice %arg5[%dma_wait3A_272, %dma_wait3A_274] : memref<16x64xi32, #tpu.memory_space<vmem>> -> memref<1x64xi32, #tpu.memory_space<vmem>>
    %dma_wait3A_276 = tpu.memref_squeeze %dma_wait3A_275 : memref<1x64xi32, #tpu.memory_space<vmem>> -> memref<64xi32, #tpu.memory_space<vmem>>
    %dma_wait3A_277 = arith.constant 0 : i32
    %dma_wait3A_278 = arith.constant 0 : i32
    %dma_wait3A_279 = tpu.memref_slice %arg2[%dma_wait3A_277, %dma_wait3A_278] : memref<8192x256xf32, #tpu.memory_space<hbm>> -> memref<8192x256xf32, #tpu.memory_space<hbm>>
    %dma_wait3A_280 = tpu.memref_slice %arg12[%dma_wait3A_273] : memref<6x!tpu.dma_semaphore, #tpu.memory_space<semaphore_mem>> -> memref<1x!tpu.dma_semaphore, #tpu.memory_space<semaphore_mem>>
    %dma_wait3A_281 = tpu.memref_squeeze %dma_wait3A_280 : memref<1x!tpu.dma_semaphore, #tpu.memory_space<semaphore_mem>> -> memref<!tpu.dma_semaphore, #tpu.memory_space<semaphore_mem>>
    tpu.wait_indirect_dma semaphore(%dma_wait3A_281 : memref<!tpu.dma_semaphore, #tpu.memory_space<semaphore_mem>>) src(%dma_wait3A_279 : memref<8192x256xf32, #tpu.memory_space<hbm>>) dst(%arg7 : memref<64x256xf32, #tpu.memory_space<vmem>>)
    %add3A_282 = arith.constant 448 : i32
    %add3A_283 = arith.addi %mul3A_2, %add3A_282 : i32
    %dma_start3A_284 = arith.constant 1 : i32
    %dma_start3A_285 = arith.constant 0 : i32
    %dma_start3A_286 = tpu.memref_slice %arg4[%add3A_283, %dma_start3A_285] : memref<32768x256xf32, #tpu.memory_space<hbm>> -> memref<64x256xf32, #tpu.memory_space<hbm>>
    %dma_start3A_287 = tpu.memref_slice %arg13[%dma_start3A_284] : memref<6x!tpu.dma_semaphore, #tpu.memory_space<semaphore_mem>> -> memref<1x!tpu.dma_semaphore, #tpu.memory_space<semaphore_mem>>
    %dma_start3A_288 = tpu.memref_squeeze %dma_start3A_287 : memref<1x!tpu.dma_semaphore, #tpu.memory_space<semaphore_mem>> -> memref<!tpu.dma_semaphore, #tpu.memory_space<semaphore_mem>>
    %dma_start3A_289 = arith.constant 0 : i32
    %dma_start3A_290 = tpu.memref_slice %arg4[%add3A_283, %dma_start3A_289] : memref<32768x256xf32, #tpu.memory_space<hbm>> -> memref<64x256xf32, #tpu.memory_space<hbm>>
    tpu.enqueue_dma source(%arg7 : memref<64x256xf32, #tpu.memory_space<vmem>>) target(%dma_start3A_290 : memref<64x256xf32, #tpu.memory_space<hbm>>) target_semaphore(%dma_start3A_288 : memref<!tpu.dma_semaphore, #tpu.memory_space<semaphore_mem>>)
    %dma_wait3A_291 = arith.constant 4 : i32
    %dma_wait3A_292 = arith.constant 0 : i32
    %dma_wait3A_293 = tpu.memref_slice %arg4[%add3A_175, %dma_wait3A_292] : memref<32768x256xf32, #tpu.memory_space<hbm>> -> memref<64x256xf32, #tpu.memory_space<hbm>>
    %dma_wait3A_294 = tpu.memref_slice %arg13[%dma_wait3A_291] : memref<6x!tpu.dma_semaphore, #tpu.memory_space<semaphore_mem>> -> memref<1x!tpu.dma_semaphore, #tpu.memory_space<semaphore_mem>>
    %dma_wait3A_295 = tpu.memref_squeeze %dma_wait3A_294 : memref<1x!tpu.dma_semaphore, #tpu.memory_space<semaphore_mem>> -> memref<!tpu.dma_semaphore, #tpu.memory_space<semaphore_mem>>
    %dma_wait3A_296 = arith.constant 0 : i32
    %dma_wait3A_297 = tpu.memref_slice %arg4[%add3A_175, %dma_wait3A_296] : memref<32768x256xf32, #tpu.memory_space<hbm>> -> memref<64x256xf32, #tpu.memory_space<hbm>>
    tpu.wait_dma2 semaphore(%dma_wait3A_295 : memref<!tpu.dma_semaphore, #tpu.memory_space<semaphore_mem>>) src(%arg10 : memref<64x256xf32, #tpu.memory_space<vmem>>) dst(%dma_wait3A_297 : memref<64x256xf32, #tpu.memory_space<hbm>>)
    %dma_start3A_298 = arith.constant 10 : i32
    %dma_start3A_299 = arith.constant 4 : i32
    %dma_start3A_300 = arith.constant 0 : i32
    %dma_start3A_301 = tpu.memref_slice %arg5[%dma_start3A_298, %dma_start3A_300] : memref<16x64xi32, #tpu.memory_space<vmem>> -> memref<1x64xi32, #tpu.memory_space<vmem>>
    %dma_start3A_302 = tpu.memref_squeeze %dma_start3A_301 : memref<1x64xi32, #tpu.memory_space<vmem>> -> memref<64xi32, #tpu.memory_space<vmem>>
    %dma_start3A_303 = arith.constant 0 : i32
    %dma_start3A_304 = arith.constant 0 : i32
    %dma_start3A_305 = tpu.memref_slice %arg2[%dma_start3A_303, %dma_start3A_304] : memref<8192x256xf32, #tpu.memory_space<hbm>> -> memref<8192x256xf32, #tpu.memory_space<hbm>>
    %dma_start3A_306 = tpu.memref_slice %arg12[%dma_start3A_299] : memref<6x!tpu.dma_semaphore, #tpu.memory_space<semaphore_mem>> -> memref<1x!tpu.dma_semaphore, #tpu.memory_space<semaphore_mem>>
    %dma_start3A_307 = tpu.memref_squeeze %dma_start3A_306 : memref<1x!tpu.dma_semaphore, #tpu.memory_space<semaphore_mem>> -> memref<!tpu.dma_semaphore, #tpu.memory_space<semaphore_mem>>
    tpu.enqueue_indirect_dma source(%dma_start3A_305 : memref<8192x256xf32, #tpu.memory_space<hbm>>) target(%arg10 : memref<64x256xf32, #tpu.memory_space<vmem>>) offsets(%dma_start3A_302 : memref<64xi32, #tpu.memory_space<vmem>>) semaphore(%dma_start3A_307 : memref<!tpu.dma_semaphore, #tpu.memory_space<semaphore_mem>>)
    %dma_wait3A_308 = arith.constant 8 : i32
    %dma_wait3A_309 = arith.constant 2 : i32
    %dma_wait3A_310 = arith.constant 0 : i32
    %dma_wait3A_311 = tpu.memref_slice %arg5[%dma_wait3A_308, %dma_wait3A_310] : memref<16x64xi32, #tpu.memory_space<vmem>> -> memref<1x64xi32, #tpu.memory_space<vmem>>
    %dma_wait3A_312 = tpu.memref_squeeze %dma_wait3A_311 : memref<1x64xi32, #tpu.memory_space<vmem>> -> memref<64xi32, #tpu.memory_space<vmem>>
    %dma_wait3A_313 = arith.constant 0 : i32
    %dma_wait3A_314 = arith.constant 0 : i32
    %dma_wait3A_315 = tpu.memref_slice %arg2[%dma_wait3A_313, %dma_wait3A_314] : memref<8192x256xf32, #tpu.memory_space<hbm>> -> memref<8192x256xf32, #tpu.memory_space<hbm>>
    %dma_wait3A_316 = tpu.memref_slice %arg12[%dma_wait3A_309] : memref<6x!tpu.dma_semaphore, #tpu.memory_space<semaphore_mem>> -> memref<1x!tpu.dma_semaphore, #tpu.memory_space<semaphore_mem>>
    %dma_wait3A_317 = tpu.memref_squeeze %dma_wait3A_316 : memref<1x!tpu.dma_semaphore, #tpu.memory_space<semaphore_mem>> -> memref<!tpu.dma_semaphore, #tpu.memory_space<semaphore_mem>>
    tpu.wait_indirect_dma semaphore(%dma_wait3A_317 : memref<!tpu.dma_semaphore, #tpu.memory_space<semaphore_mem>>) src(%dma_wait3A_315 : memref<8192x256xf32, #tpu.memory_space<hbm>>) dst(%arg8 : memref<64x256xf32, #tpu.memory_space<vmem>>)
    %add3A_318 = arith.constant 512 : i32
    %add3A_319 = arith.addi %mul3A_2, %add3A_318 : i32
    %dma_start3A_320 = arith.constant 2 : i32
    %dma_start3A_321 = arith.constant 0 : i32
    %dma_start3A_322 = tpu.memref_slice %arg4[%add3A_319, %dma_start3A_321] : memref<32768x256xf32, #tpu.memory_space<hbm>> -> memref<64x256xf32, #tpu.memory_space<hbm>>
    %dma_start3A_323 = tpu.memref_slice %arg13[%dma_start3A_320] : memref<6x!tpu.dma_semaphore, #tpu.memory_space<semaphore_mem>> -> memref<1x!tpu.dma_semaphore, #tpu.memory_space<semaphore_mem>>
    %dma_start3A_324 = tpu.memref_squeeze %dma_start3A_323 : memref<1x!tpu.dma_semaphore, #tpu.memory_space<semaphore_mem>> -> memref<!tpu.dma_semaphore, #tpu.memory_space<semaphore_mem>>
    %dma_start3A_325 = arith.constant 0 : i32
    %dma_start3A_326 = tpu.memref_slice %arg4[%add3A_319, %dma_start3A_325] : memref<32768x256xf32, #tpu.memory_space<hbm>> -> memref<64x256xf32, #tpu.memory_space<hbm>>
    tpu.enqueue_dma source(%arg8 : memref<64x256xf32, #tpu.memory_space<vmem>>) target(%dma_start3A_326 : memref<64x256xf32, #tpu.memory_space<hbm>>) target_semaphore(%dma_start3A_324 : memref<!tpu.dma_semaphore, #tpu.memory_space<semaphore_mem>>)
    %dma_wait3A_327 = arith.constant 5 : i32
    %dma_wait3A_328 = arith.constant 0 : i32
    %dma_wait3A_329 = tpu.memref_slice %arg4[%add3A_211, %dma_wait3A_328] : memref<32768x256xf32, #tpu.memory_space<hbm>> -> memref<64x256xf32, #tpu.memory_space<hbm>>
    %dma_wait3A_330 = tpu.memref_slice %arg13[%dma_wait3A_327] : memref<6x!tpu.dma_semaphore, #tpu.memory_space<semaphore_mem>> -> memref<1x!tpu.dma_semaphore, #tpu.memory_space<semaphore_mem>>
    %dma_wait3A_331 = tpu.memref_squeeze %dma_wait3A_330 : memref<1x!tpu.dma_semaphore, #tpu.memory_space<semaphore_mem>> -> memref<!tpu.dma_semaphore, #tpu.memory_space<semaphore_mem>>
    %dma_wait3A_332 = arith.constant 0 : i32
    %dma_wait3A_333 = tpu.memref_slice %arg4[%add3A_211, %dma_wait3A_332] : memref<32768x256xf32, #tpu.memory_space<hbm>> -> memref<64x256xf32, #tpu.memory_space<hbm>>
    tpu.wait_dma2 semaphore(%dma_wait3A_331 : memref<!tpu.dma_semaphore, #tpu.memory_space<semaphore_mem>>) src(%arg11 : memref<64x256xf32, #tpu.memory_space<vmem>>) dst(%dma_wait3A_333 : memref<64x256xf32, #tpu.memory_space<hbm>>)
    %dma_start3A_334 = arith.constant 11 : i32
    %dma_start3A_335 = arith.constant 5 : i32
    %dma_start3A_336 = arith.constant 0 : i32
    %dma_start3A_337 = tpu.memref_slice %arg5[%dma_start3A_334, %dma_start3A_336] : memref<16x64xi32, #tpu.memory_space<vmem>> -> memref<1x64xi32, #tpu.memory_space<vmem>>
    %dma_start3A_338 = tpu.memref_squeeze %dma_start3A_337 : memref<1x64xi32, #tpu.memory_space<vmem>> -> memref<64xi32, #tpu.memory_space<vmem>>
    %dma_start3A_339 = arith.constant 0 : i32
    %dma_start3A_340 = arith.constant 0 : i32
    %dma_start3A_341 = tpu.memref_slice %arg2[%dma_start3A_339, %dma_start3A_340] : memref<8192x256xf32, #tpu.memory_space<hbm>> -> memref<8192x256xf32, #tpu.memory_space<hbm>>
    %dma_start3A_342 = tpu.memref_slice %arg12[%dma_start3A_335] : memref<6x!tpu.dma_semaphore, #tpu.memory_space<semaphore_mem>> -> memref<1x!tpu.dma_semaphore, #tpu.memory_space<semaphore_mem>>
    %dma_start3A_343 = tpu.memref_squeeze %dma_start3A_342 : memref<1x!tpu.dma_semaphore, #tpu.memory_space<semaphore_mem>> -> memref<!tpu.dma_semaphore, #tpu.memory_space<semaphore_mem>>
    tpu.enqueue_indirect_dma source(%dma_start3A_341 : memref<8192x256xf32, #tpu.memory_space<hbm>>) target(%arg11 : memref<64x256xf32, #tpu.memory_space<vmem>>) offsets(%dma_start3A_338 : memref<64xi32, #tpu.memory_space<vmem>>) semaphore(%dma_start3A_343 : memref<!tpu.dma_semaphore, #tpu.memory_space<semaphore_mem>>)
    %dma_wait3A_344 = arith.constant 9 : i32
    %dma_wait3A_345 = arith.constant 3 : i32
    %dma_wait3A_346 = arith.constant 0 : i32
    %dma_wait3A_347 = tpu.memref_slice %arg5[%dma_wait3A_344, %dma_wait3A_346] : memref<16x64xi32, #tpu.memory_space<vmem>> -> memref<1x64xi32, #tpu.memory_space<vmem>>
    %dma_wait3A_348 = tpu.memref_squeeze %dma_wait3A_347 : memref<1x64xi32, #tpu.memory_space<vmem>> -> memref<64xi32, #tpu.memory_space<vmem>>
    %dma_wait3A_349 = arith.constant 0 : i32
    %dma_wait3A_350 = arith.constant 0 : i32
    %dma_wait3A_351 = tpu.memref_slice %arg2[%dma_wait3A_349, %dma_wait3A_350] : memref<8192x256xf32, #tpu.memory_space<hbm>> -> memref<8192x256xf32, #tpu.memory_space<hbm>>
    %dma_wait3A_352 = tpu.memref_slice %arg12[%dma_wait3A_345] : memref<6x!tpu.dma_semaphore, #tpu.memory_space<semaphore_mem>> -> memref<1x!tpu.dma_semaphore, #tpu.memory_space<semaphore_mem>>
    %dma_wait3A_353 = tpu.memref_squeeze %dma_wait3A_352 : memref<1x!tpu.dma_semaphore, #tpu.memory_space<semaphore_mem>> -> memref<!tpu.dma_semaphore, #tpu.memory_space<semaphore_mem>>
    tpu.wait_indirect_dma semaphore(%dma_wait3A_353 : memref<!tpu.dma_semaphore, #tpu.memory_space<semaphore_mem>>) src(%dma_wait3A_351 : memref<8192x256xf32, #tpu.memory_space<hbm>>) dst(%arg9 : memref<64x256xf32, #tpu.memory_space<vmem>>)
    %add3A_354 = arith.constant 576 : i32
    %add3A_355 = arith.addi %mul3A_2, %add3A_354 : i32
    %dma_start3A_356 = arith.constant 3 : i32
    %dma_start3A_357 = arith.constant 0 : i32
    %dma_start3A_358 = tpu.memref_slice %arg4[%add3A_355, %dma_start3A_357] : memref<32768x256xf32, #tpu.memory_space<hbm>> -> memref<64x256xf32, #tpu.memory_space<hbm>>
    %dma_start3A_359 = tpu.memref_slice %arg13[%dma_start3A_356] : memref<6x!tpu.dma_semaphore, #tpu.memory_space<semaphore_mem>> -> memref<1x!tpu.dma_semaphore, #tpu.memory_space<semaphore_mem>>
    %dma_start3A_360 = tpu.memref_squeeze %dma_start3A_359 : memref<1x!tpu.dma_semaphore, #tpu.memory_space<semaphore_mem>> -> memref<!tpu.dma_semaphore, #tpu.memory_space<semaphore_mem>>
    %dma_start3A_361 = arith.constant 0 : i32
    %dma_start3A_362 = tpu.memref_slice %arg4[%add3A_355, %dma_start3A_361] : memref<32768x256xf32, #tpu.memory_space<hbm>> -> memref<64x256xf32, #tpu.memory_space<hbm>>
    tpu.enqueue_dma source(%arg9 : memref<64x256xf32, #tpu.memory_space<vmem>>) target(%dma_start3A_362 : memref<64x256xf32, #tpu.memory_space<hbm>>) target_semaphore(%dma_start3A_360 : memref<!tpu.dma_semaphore, #tpu.memory_space<semaphore_mem>>)
    %dma_wait3A_363 = arith.constant 0 : i32
    %dma_wait3A_364 = arith.constant 0 : i32
    %dma_wait3A_365 = tpu.memref_slice %arg4[%add3A_247, %dma_wait3A_364] : memref<32768x256xf32, #tpu.memory_space<hbm>> -> memref<64x256xf32, #tpu.memory_space<hbm>>
    %dma_wait3A_366 = tpu.memref_slice %arg13[%dma_wait3A_363] : memref<6x!tpu.dma_semaphore, #tpu.memory_space<semaphore_mem>> -> memref<1x!tpu.dma_semaphore, #tpu.memory_space<semaphore_mem>>
    %dma_wait3A_367 = tpu.memref_squeeze %dma_wait3A_366 : memref<1x!tpu.dma_semaphore, #tpu.memory_space<semaphore_mem>> -> memref<!tpu.dma_semaphore, #tpu.memory_space<semaphore_mem>>
    %dma_wait3A_368 = arith.constant 0 : i32
    %dma_wait3A_369 = tpu.memref_slice %arg4[%add3A_247, %dma_wait3A_368] : memref<32768x256xf32, #tpu.memory_space<hbm>> -> memref<64x256xf32, #tpu.memory_space<hbm>>
    tpu.wait_dma2 semaphore(%dma_wait3A_367 : memref<!tpu.dma_semaphore, #tpu.memory_space<semaphore_mem>>) src(%arg6 : memref<64x256xf32, #tpu.memory_space<vmem>>) dst(%dma_wait3A_369 : memref<64x256xf32, #tpu.memory_space<hbm>>)
    %dma_start3A_370 = arith.constant 12 : i32
    %dma_start3A_371 = arith.constant 0 : i32
    %dma_start3A_372 = arith.constant 0 : i32
    %dma_start3A_373 = tpu.memref_slice %arg5[%dma_start3A_370, %dma_start3A_372] : memref<16x64xi32, #tpu.memory_space<vmem>> -> memref<1x64xi32, #tpu.memory_space<vmem>>
    %dma_start3A_374 = tpu.memref_squeeze %dma_start3A_373 : memref<1x64xi32, #tpu.memory_space<vmem>> -> memref<64xi32, #tpu.memory_space<vmem>>
    %dma_start3A_375 = arith.constant 0 : i32
    %dma_start3A_376 = arith.constant 0 : i32
    %dma_start3A_377 = tpu.memref_slice %arg2[%dma_start3A_375, %dma_start3A_376] : memref<8192x256xf32, #tpu.memory_space<hbm>> -> memref<8192x256xf32, #tpu.memory_space<hbm>>
    %dma_start3A_378 = tpu.memref_slice %arg12[%dma_start3A_371] : memref<6x!tpu.dma_semaphore, #tpu.memory_space<semaphore_mem>> -> memref<1x!tpu.dma_semaphore, #tpu.memory_space<semaphore_mem>>
    %dma_start3A_379 = tpu.memref_squeeze %dma_start3A_378 : memref<1x!tpu.dma_semaphore, #tpu.memory_space<semaphore_mem>> -> memref<!tpu.dma_semaphore, #tpu.memory_space<semaphore_mem>>
    tpu.enqueue_indirect_dma source(%dma_start3A_377 : memref<8192x256xf32, #tpu.memory_space<hbm>>) target(%arg6 : memref<64x256xf32, #tpu.memory_space<vmem>>) offsets(%dma_start3A_374 : memref<64xi32, #tpu.memory_space<vmem>>) semaphore(%dma_start3A_379 : memref<!tpu.dma_semaphore, #tpu.memory_space<semaphore_mem>>)
    %dma_wait3A_380 = arith.constant 10 : i32
    %dma_wait3A_381 = arith.constant 4 : i32
    %dma_wait3A_382 = arith.constant 0 : i32
    %dma_wait3A_383 = tpu.memref_slice %arg5[%dma_wait3A_380, %dma_wait3A_382] : memref<16x64xi32, #tpu.memory_space<vmem>> -> memref<1x64xi32, #tpu.memory_space<vmem>>
    %dma_wait3A_384 = tpu.memref_squeeze %dma_wait3A_383 : memref<1x64xi32, #tpu.memory_space<vmem>> -> memref<64xi32, #tpu.memory_space<vmem>>
    %dma_wait3A_385 = arith.constant 0 : i32
    %dma_wait3A_386 = arith.constant 0 : i32
    %dma_wait3A_387 = tpu.memref_slice %arg2[%dma_wait3A_385, %dma_wait3A_386] : memref<8192x256xf32, #tpu.memory_space<hbm>> -> memref<8192x256xf32, #tpu.memory_space<hbm>>
    %dma_wait3A_388 = tpu.memref_slice %arg12[%dma_wait3A_381] : memref<6x!tpu.dma_semaphore, #tpu.memory_space<semaphore_mem>> -> memref<1x!tpu.dma_semaphore, #tpu.memory_space<semaphore_mem>>
    %dma_wait3A_389 = tpu.memref_squeeze %dma_wait3A_388 : memref<1x!tpu.dma_semaphore, #tpu.memory_space<semaphore_mem>> -> memref<!tpu.dma_semaphore, #tpu.memory_space<semaphore_mem>>
    tpu.wait_indirect_dma semaphore(%dma_wait3A_389 : memref<!tpu.dma_semaphore, #tpu.memory_space<semaphore_mem>>) src(%dma_wait3A_387 : memref<8192x256xf32, #tpu.memory_space<hbm>>) dst(%arg10 : memref<64x256xf32, #tpu.memory_space<vmem>>)
    %add3A_390 = arith.constant 640 : i32
    %add3A_391 = arith.addi %mul3A_2, %add3A_390 : i32
    %dma_start3A_392 = arith.constant 4 : i32
    %dma_start3A_393 = arith.constant 0 : i32
    %dma_start3A_394 = tpu.memref_slice %arg4[%add3A_391, %dma_start3A_393] : memref<32768x256xf32, #tpu.memory_space<hbm>> -> memref<64x256xf32, #tpu.memory_space<hbm>>
    %dma_start3A_395 = tpu.memref_slice %arg13[%dma_start3A_392] : memref<6x!tpu.dma_semaphore, #tpu.memory_space<semaphore_mem>> -> memref<1x!tpu.dma_semaphore, #tpu.memory_space<semaphore_mem>>
    %dma_start3A_396 = tpu.memref_squeeze %dma_start3A_395 : memref<1x!tpu.dma_semaphore, #tpu.memory_space<semaphore_mem>> -> memref<!tpu.dma_semaphore, #tpu.memory_space<semaphore_mem>>
    %dma_start3A_397 = arith.constant 0 : i32
    %dma_start3A_398 = tpu.memref_slice %arg4[%add3A_391, %dma_start3A_397] : memref<32768x256xf32, #tpu.memory_space<hbm>> -> memref<64x256xf32, #tpu.memory_space<hbm>>
    tpu.enqueue_dma source(%arg10 : memref<64x256xf32, #tpu.memory_space<vmem>>) target(%dma_start3A_398 : memref<64x256xf32, #tpu.memory_space<hbm>>) target_semaphore(%dma_start3A_396 : memref<!tpu.dma_semaphore, #tpu.memory_space<semaphore_mem>>)
    %dma_wait3A_399 = arith.constant 1 : i32
    %dma_wait3A_400 = arith.constant 0 : i32
    %dma_wait3A_401 = tpu.memref_slice %arg4[%add3A_283, %dma_wait3A_400] : memref<32768x256xf32, #tpu.memory_space<hbm>> -> memref<64x256xf32, #tpu.memory_space<hbm>>
    %dma_wait3A_402 = tpu.memref_slice %arg13[%dma_wait3A_399] : memref<6x!tpu.dma_semaphore, #tpu.memory_space<semaphore_mem>> -> memref<1x!tpu.dma_semaphore, #tpu.memory_space<semaphore_mem>>
    %dma_wait3A_403 = tpu.memref_squeeze %dma_wait3A_402 : memref<1x!tpu.dma_semaphore, #tpu.memory_space<semaphore_mem>> -> memref<!tpu.dma_semaphore, #tpu.memory_space<semaphore_mem>>
    %dma_wait3A_404 = arith.constant 0 : i32
    %dma_wait3A_405 = tpu.memref_slice %arg4[%add3A_283, %dma_wait3A_404] : memref<32768x256xf32, #tpu.memory_space<hbm>> -> memref<64x256xf32, #tpu.memory_space<hbm>>
    tpu.wait_dma2 semaphore(%dma_wait3A_403 : memref<!tpu.dma_semaphore, #tpu.memory_space<semaphore_mem>>) src(%arg7 : memref<64x256xf32, #tpu.memory_space<vmem>>) dst(%dma_wait3A_405 : memref<64x256xf32, #tpu.memory_space<hbm>>)
    %dma_start3A_406 = arith.constant 13 : i32
    %dma_start3A_407 = arith.constant 1 : i32
    %dma_start3A_408 = arith.constant 0 : i32
    %dma_start3A_409 = tpu.memref_slice %arg5[%dma_start3A_406, %dma_start3A_408] : memref<16x64xi32, #tpu.memory_space<vmem>> -> memref<1x64xi32, #tpu.memory_space<vmem>>
    %dma_start3A_410 = tpu.memref_squeeze %dma_start3A_409 : memref<1x64xi32, #tpu.memory_space<vmem>> -> memref<64xi32, #tpu.memory_space<vmem>>
    %dma_start3A_411 = arith.constant 0 : i32
    %dma_start3A_412 = arith.constant 0 : i32
    %dma_start3A_413 = tpu.memref_slice %arg2[%dma_start3A_411, %dma_start3A_412] : memref<8192x256xf32, #tpu.memory_space<hbm>> -> memref<8192x256xf32, #tpu.memory_space<hbm>>
    %dma_start3A_414 = tpu.memref_slice %arg12[%dma_start3A_407] : memref<6x!tpu.dma_semaphore, #tpu.memory_space<semaphore_mem>> -> memref<1x!tpu.dma_semaphore, #tpu.memory_space<semaphore_mem>>
    %dma_start3A_415 = tpu.memref_squeeze %dma_start3A_414 : memref<1x!tpu.dma_semaphore, #tpu.memory_space<semaphore_mem>> -> memref<!tpu.dma_semaphore, #tpu.memory_space<semaphore_mem>>
    tpu.enqueue_indirect_dma source(%dma_start3A_413 : memref<8192x256xf32, #tpu.memory_space<hbm>>) target(%arg7 : memref<64x256xf32, #tpu.memory_space<vmem>>) offsets(%dma_start3A_410 : memref<64xi32, #tpu.memory_space<vmem>>) semaphore(%dma_start3A_415 : memref<!tpu.dma_semaphore, #tpu.memory_space<semaphore_mem>>)
    %dma_wait3A_416 = arith.constant 11 : i32
    %dma_wait3A_417 = arith.constant 5 : i32
    %dma_wait3A_418 = arith.constant 0 : i32
    %dma_wait3A_419 = tpu.memref_slice %arg5[%dma_wait3A_416, %dma_wait3A_418] : memref<16x64xi32, #tpu.memory_space<vmem>> -> memref<1x64xi32, #tpu.memory_space<vmem>>
    %dma_wait3A_420 = tpu.memref_squeeze %dma_wait3A_419 : memref<1x64xi32, #tpu.memory_space<vmem>> -> memref<64xi32, #tpu.memory_space<vmem>>
    %dma_wait3A_421 = arith.constant 0 : i32
    %dma_wait3A_422 = arith.constant 0 : i32
    %dma_wait3A_423 = tpu.memref_slice %arg2[%dma_wait3A_421, %dma_wait3A_422] : memref<8192x256xf32, #tpu.memory_space<hbm>> -> memref<8192x256xf32, #tpu.memory_space<hbm>>
    %dma_wait3A_424 = tpu.memref_slice %arg12[%dma_wait3A_417] : memref<6x!tpu.dma_semaphore, #tpu.memory_space<semaphore_mem>> -> memref<1x!tpu.dma_semaphore, #tpu.memory_space<semaphore_mem>>
    %dma_wait3A_425 = tpu.memref_squeeze %dma_wait3A_424 : memref<1x!tpu.dma_semaphore, #tpu.memory_space<semaphore_mem>> -> memref<!tpu.dma_semaphore, #tpu.memory_space<semaphore_mem>>
    tpu.wait_indirect_dma semaphore(%dma_wait3A_425 : memref<!tpu.dma_semaphore, #tpu.memory_space<semaphore_mem>>) src(%dma_wait3A_423 : memref<8192x256xf32, #tpu.memory_space<hbm>>) dst(%arg11 : memref<64x256xf32, #tpu.memory_space<vmem>>)
    %add3A_426 = arith.constant 704 : i32
    %add3A_427 = arith.addi %mul3A_2, %add3A_426 : i32
    %dma_start3A_428 = arith.constant 5 : i32
    %dma_start3A_429 = arith.constant 0 : i32
    %dma_start3A_430 = tpu.memref_slice %arg4[%add3A_427, %dma_start3A_429] : memref<32768x256xf32, #tpu.memory_space<hbm>> -> memref<64x256xf32, #tpu.memory_space<hbm>>
    %dma_start3A_431 = tpu.memref_slice %arg13[%dma_start3A_428] : memref<6x!tpu.dma_semaphore, #tpu.memory_space<semaphore_mem>> -> memref<1x!tpu.dma_semaphore, #tpu.memory_space<semaphore_mem>>
    %dma_start3A_432 = tpu.memref_squeeze %dma_start3A_431 : memref<1x!tpu.dma_semaphore, #tpu.memory_space<semaphore_mem>> -> memref<!tpu.dma_semaphore, #tpu.memory_space<semaphore_mem>>
    %dma_start3A_433 = arith.constant 0 : i32
    %dma_start3A_434 = tpu.memref_slice %arg4[%add3A_427, %dma_start3A_433] : memref<32768x256xf32, #tpu.memory_space<hbm>> -> memref<64x256xf32, #tpu.memory_space<hbm>>
    tpu.enqueue_dma source(%arg11 : memref<64x256xf32, #tpu.memory_space<vmem>>) target(%dma_start3A_434 : memref<64x256xf32, #tpu.memory_space<hbm>>) target_semaphore(%dma_start3A_432 : memref<!tpu.dma_semaphore, #tpu.memory_space<semaphore_mem>>)
    %dma_wait3A_435 = arith.constant 2 : i32
    %dma_wait3A_436 = arith.constant 0 : i32
    %dma_wait3A_437 = tpu.memref_slice %arg4[%add3A_319, %dma_wait3A_436] : memref<32768x256xf32, #tpu.memory_space<hbm>> -> memref<64x256xf32, #tpu.memory_space<hbm>>
    %dma_wait3A_438 = tpu.memref_slice %arg13[%dma_wait3A_435] : memref<6x!tpu.dma_semaphore, #tpu.memory_space<semaphore_mem>> -> memref<1x!tpu.dma_semaphore, #tpu.memory_space<semaphore_mem>>
    %dma_wait3A_439 = tpu.memref_squeeze %dma_wait3A_438 : memref<1x!tpu.dma_semaphore, #tpu.memory_space<semaphore_mem>> -> memref<!tpu.dma_semaphore, #tpu.memory_space<semaphore_mem>>
    %dma_wait3A_440 = arith.constant 0 : i32
    %dma_wait3A_441 = tpu.memref_slice %arg4[%add3A_319, %dma_wait3A_440] : memref<32768x256xf32, #tpu.memory_space<hbm>> -> memref<64x256xf32, #tpu.memory_space<hbm>>
    tpu.wait_dma2 semaphore(%dma_wait3A_439 : memref<!tpu.dma_semaphore, #tpu.memory_space<semaphore_mem>>) src(%arg8 : memref<64x256xf32, #tpu.memory_space<vmem>>) dst(%dma_wait3A_441 : memref<64x256xf32, #tpu.memory_space<hbm>>)
    %dma_start3A_442 = arith.constant 14 : i32
    %dma_start3A_443 = arith.constant 2 : i32
    %dma_start3A_444 = arith.constant 0 : i32
    %dma_start3A_445 = tpu.memref_slice %arg5[%dma_start3A_442, %dma_start3A_444] : memref<16x64xi32, #tpu.memory_space<vmem>> -> memref<1x64xi32, #tpu.memory_space<vmem>>
    %dma_start3A_446 = tpu.memref_squeeze %dma_start3A_445 : memref<1x64xi32, #tpu.memory_space<vmem>> -> memref<64xi32, #tpu.memory_space<vmem>>
    %dma_start3A_447 = arith.constant 0 : i32
    %dma_start3A_448 = arith.constant 0 : i32
    %dma_start3A_449 = tpu.memref_slice %arg2[%dma_start3A_447, %dma_start3A_448] : memref<8192x256xf32, #tpu.memory_space<hbm>> -> memref<8192x256xf32, #tpu.memory_space<hbm>>
    %dma_start3A_450 = tpu.memref_slice %arg12[%dma_start3A_443] : memref<6x!tpu.dma_semaphore, #tpu.memory_space<semaphore_mem>> -> memref<1x!tpu.dma_semaphore, #tpu.memory_space<semaphore_mem>>
    %dma_start3A_451 = tpu.memref_squeeze %dma_start3A_450 : memref<1x!tpu.dma_semaphore, #tpu.memory_space<semaphore_mem>> -> memref<!tpu.dma_semaphore, #tpu.memory_space<semaphore_mem>>
    tpu.enqueue_indirect_dma source(%dma_start3A_449 : memref<8192x256xf32, #tpu.memory_space<hbm>>) target(%arg8 : memref<64x256xf32, #tpu.memory_space<vmem>>) offsets(%dma_start3A_446 : memref<64xi32, #tpu.memory_space<vmem>>) semaphore(%dma_start3A_451 : memref<!tpu.dma_semaphore, #tpu.memory_space<semaphore_mem>>)
    %dma_wait3A_452 = arith.constant 12 : i32
    %dma_wait3A_453 = arith.constant 0 : i32
    %dma_wait3A_454 = arith.constant 0 : i32
    %dma_wait3A_455 = tpu.memref_slice %arg5[%dma_wait3A_452, %dma_wait3A_454] : memref<16x64xi32, #tpu.memory_space<vmem>> -> memref<1x64xi32, #tpu.memory_space<vmem>>
    %dma_wait3A_456 = tpu.memref_squeeze %dma_wait3A_455 : memref<1x64xi32, #tpu.memory_space<vmem>> -> memref<64xi32, #tpu.memory_space<vmem>>
    %dma_wait3A_457 = arith.constant 0 : i32
    %dma_wait3A_458 = arith.constant 0 : i32
    %dma_wait3A_459 = tpu.memref_slice %arg2[%dma_wait3A_457, %dma_wait3A_458] : memref<8192x256xf32, #tpu.memory_space<hbm>> -> memref<8192x256xf32, #tpu.memory_space<hbm>>
    %dma_wait3A_460 = tpu.memref_slice %arg12[%dma_wait3A_453] : memref<6x!tpu.dma_semaphore, #tpu.memory_space<semaphore_mem>> -> memref<1x!tpu.dma_semaphore, #tpu.memory_space<semaphore_mem>>
    %dma_wait3A_461 = tpu.memref_squeeze %dma_wait3A_460 : memref<1x!tpu.dma_semaphore, #tpu.memory_space<semaphore_mem>> -> memref<!tpu.dma_semaphore, #tpu.memory_space<semaphore_mem>>
    tpu.wait_indirect_dma semaphore(%dma_wait3A_461 : memref<!tpu.dma_semaphore, #tpu.memory_space<semaphore_mem>>) src(%dma_wait3A_459 : memref<8192x256xf32, #tpu.memory_space<hbm>>) dst(%arg6 : memref<64x256xf32, #tpu.memory_space<vmem>>)
    %add3A_462 = arith.constant 768 : i32
    %add3A_463 = arith.addi %mul3A_2, %add3A_462 : i32
    %dma_start3A_464 = arith.constant 0 : i32
    %dma_start3A_465 = arith.constant 0 : i32
    %dma_start3A_466 = tpu.memref_slice %arg4[%add3A_463, %dma_start3A_465] : memref<32768x256xf32, #tpu.memory_space<hbm>> -> memref<64x256xf32, #tpu.memory_space<hbm>>
    %dma_start3A_467 = tpu.memref_slice %arg13[%dma_start3A_464] : memref<6x!tpu.dma_semaphore, #tpu.memory_space<semaphore_mem>> -> memref<1x!tpu.dma_semaphore, #tpu.memory_space<semaphore_mem>>
    %dma_start3A_468 = tpu.memref_squeeze %dma_start3A_467 : memref<1x!tpu.dma_semaphore, #tpu.memory_space<semaphore_mem>> -> memref<!tpu.dma_semaphore, #tpu.memory_space<semaphore_mem>>
    %dma_start3A_469 = arith.constant 0 : i32
    %dma_start3A_470 = tpu.memref_slice %arg4[%add3A_463, %dma_start3A_469] : memref<32768x256xf32, #tpu.memory_space<hbm>> -> memref<64x256xf32, #tpu.memory_space<hbm>>
    tpu.enqueue_dma source(%arg6 : memref<64x256xf32, #tpu.memory_space<vmem>>) target(%dma_start3A_470 : memref<64x256xf32, #tpu.memory_space<hbm>>) target_semaphore(%dma_start3A_468 : memref<!tpu.dma_semaphore, #tpu.memory_space<semaphore_mem>>)
    %dma_wait3A_471 = arith.constant 3 : i32
    %dma_wait3A_472 = arith.constant 0 : i32
    %dma_wait3A_473 = tpu.memref_slice %arg4[%add3A_355, %dma_wait3A_472] : memref<32768x256xf32, #tpu.memory_space<hbm>> -> memref<64x256xf32, #tpu.memory_space<hbm>>
    %dma_wait3A_474 = tpu.memref_slice %arg13[%dma_wait3A_471] : memref<6x!tpu.dma_semaphore, #tpu.memory_space<semaphore_mem>> -> memref<1x!tpu.dma_semaphore, #tpu.memory_space<semaphore_mem>>
    %dma_wait3A_475 = tpu.memref_squeeze %dma_wait3A_474 : memref<1x!tpu.dma_semaphore, #tpu.memory_space<semaphore_mem>> -> memref<!tpu.dma_semaphore, #tpu.memory_space<semaphore_mem>>
    %dma_wait3A_476 = arith.constant 0 : i32
    %dma_wait3A_477 = tpu.memref_slice %arg4[%add3A_355, %dma_wait3A_476] : memref<32768x256xf32, #tpu.memory_space<hbm>> -> memref<64x256xf32, #tpu.memory_space<hbm>>
    tpu.wait_dma2 semaphore(%dma_wait3A_475 : memref<!tpu.dma_semaphore, #tpu.memory_space<semaphore_mem>>) src(%arg9 : memref<64x256xf32, #tpu.memory_space<vmem>>) dst(%dma_wait3A_477 : memref<64x256xf32, #tpu.memory_space<hbm>>)
    %dma_start3A_478 = arith.constant 15 : i32
    %dma_start3A_479 = arith.constant 3 : i32
    %dma_start3A_480 = arith.constant 0 : i32
    %dma_start3A_481 = tpu.memref_slice %arg5[%dma_start3A_478, %dma_start3A_480] : memref<16x64xi32, #tpu.memory_space<vmem>> -> memref<1x64xi32, #tpu.memory_space<vmem>>
    %dma_start3A_482 = tpu.memref_squeeze %dma_start3A_481 : memref<1x64xi32, #tpu.memory_space<vmem>> -> memref<64xi32, #tpu.memory_space<vmem>>
    %dma_start3A_483 = arith.constant 0 : i32
    %dma_start3A_484 = arith.constant 0 : i32
    %dma_start3A_485 = tpu.memref_slice %arg2[%dma_start3A_483, %dma_start3A_484] : memref<8192x256xf32, #tpu.memory_space<hbm>> -> memref<8192x256xf32, #tpu.memory_space<hbm>>
    %dma_start3A_486 = tpu.memref_slice %arg12[%dma_start3A_479] : memref<6x!tpu.dma_semaphore, #tpu.memory_space<semaphore_mem>> -> memref<1x!tpu.dma_semaphore, #tpu.memory_space<semaphore_mem>>
    %dma_start3A_487 = tpu.memref_squeeze %dma_start3A_486 : memref<1x!tpu.dma_semaphore, #tpu.memory_space<semaphore_mem>> -> memref<!tpu.dma_semaphore, #tpu.memory_space<semaphore_mem>>
    tpu.enqueue_indirect_dma source(%dma_start3A_485 : memref<8192x256xf32, #tpu.memory_space<hbm>>) target(%arg9 : memref<64x256xf32, #tpu.memory_space<vmem>>) offsets(%dma_start3A_482 : memref<64xi32, #tpu.memory_space<vmem>>) semaphore(%dma_start3A_487 : memref<!tpu.dma_semaphore, #tpu.memory_space<semaphore_mem>>)
    %dma_wait3A_488 = arith.constant 13 : i32
    %dma_wait3A_489 = arith.constant 1 : i32
    %dma_wait3A_490 = arith.constant 0 : i32
    %dma_wait3A_491 = tpu.memref_slice %arg5[%dma_wait3A_488, %dma_wait3A_490] : memref<16x64xi32, #tpu.memory_space<vmem>> -> memref<1x64xi32, #tpu.memory_space<vmem>>
    %dma_wait3A_492 = tpu.memref_squeeze %dma_wait3A_491 : memref<1x64xi32, #tpu.memory_space<vmem>> -> memref<64xi32, #tpu.memory_space<vmem>>
    %dma_wait3A_493 = arith.constant 0 : i32
    %dma_wait3A_494 = arith.constant 0 : i32
    %dma_wait3A_495 = tpu.memref_slice %arg2[%dma_wait3A_493, %dma_wait3A_494] : memref<8192x256xf32, #tpu.memory_space<hbm>> -> memref<8192x256xf32, #tpu.memory_space<hbm>>
    %dma_wait3A_496 = tpu.memref_slice %arg12[%dma_wait3A_489] : memref<6x!tpu.dma_semaphore, #tpu.memory_space<semaphore_mem>> -> memref<1x!tpu.dma_semaphore, #tpu.memory_space<semaphore_mem>>
    %dma_wait3A_497 = tpu.memref_squeeze %dma_wait3A_496 : memref<1x!tpu.dma_semaphore, #tpu.memory_space<semaphore_mem>> -> memref<!tpu.dma_semaphore, #tpu.memory_space<semaphore_mem>>
    tpu.wait_indirect_dma semaphore(%dma_wait3A_497 : memref<!tpu.dma_semaphore, #tpu.memory_space<semaphore_mem>>) src(%dma_wait3A_495 : memref<8192x256xf32, #tpu.memory_space<hbm>>) dst(%arg7 : memref<64x256xf32, #tpu.memory_space<vmem>>)
    %add3A_498 = arith.constant 832 : i32
    %add3A_499 = arith.addi %mul3A_2, %add3A_498 : i32
    %dma_start3A_500 = arith.constant 1 : i32
    %dma_start3A_501 = arith.constant 0 : i32
    %dma_start3A_502 = tpu.memref_slice %arg4[%add3A_499, %dma_start3A_501] : memref<32768x256xf32, #tpu.memory_space<hbm>> -> memref<64x256xf32, #tpu.memory_space<hbm>>
    %dma_start3A_503 = tpu.memref_slice %arg13[%dma_start3A_500] : memref<6x!tpu.dma_semaphore, #tpu.memory_space<semaphore_mem>> -> memref<1x!tpu.dma_semaphore, #tpu.memory_space<semaphore_mem>>
    %dma_start3A_504 = tpu.memref_squeeze %dma_start3A_503 : memref<1x!tpu.dma_semaphore, #tpu.memory_space<semaphore_mem>> -> memref<!tpu.dma_semaphore, #tpu.memory_space<semaphore_mem>>
    %dma_start3A_505 = arith.constant 0 : i32
    %dma_start3A_506 = tpu.memref_slice %arg4[%add3A_499, %dma_start3A_505] : memref<32768x256xf32, #tpu.memory_space<hbm>> -> memref<64x256xf32, #tpu.memory_space<hbm>>
    tpu.enqueue_dma source(%arg7 : memref<64x256xf32, #tpu.memory_space<vmem>>) target(%dma_start3A_506 : memref<64x256xf32, #tpu.memory_space<hbm>>) target_semaphore(%dma_start3A_504 : memref<!tpu.dma_semaphore, #tpu.memory_space<semaphore_mem>>)
    %dma_wait3A_507 = arith.constant 14 : i32
    %dma_wait3A_508 = arith.constant 2 : i32
    %dma_wait3A_509 = arith.constant 0 : i32
    %dma_wait3A_510 = tpu.memref_slice %arg5[%dma_wait3A_507, %dma_wait3A_509] : memref<16x64xi32, #tpu.memory_space<vmem>> -> memref<1x64xi32, #tpu.memory_space<vmem>>
    %dma_wait3A_511 = tpu.memref_squeeze %dma_wait3A_510 : memref<1x64xi32, #tpu.memory_space<vmem>> -> memref<64xi32, #tpu.memory_space<vmem>>
    %dma_wait3A_512 = arith.constant 0 : i32
    %dma_wait3A_513 = arith.constant 0 : i32
    %dma_wait3A_514 = tpu.memref_slice %arg2[%dma_wait3A_512, %dma_wait3A_513] : memref<8192x256xf32, #tpu.memory_space<hbm>> -> memref<8192x256xf32, #tpu.memory_space<hbm>>
    %dma_wait3A_515 = tpu.memref_slice %arg12[%dma_wait3A_508] : memref<6x!tpu.dma_semaphore, #tpu.memory_space<semaphore_mem>> -> memref<1x!tpu.dma_semaphore, #tpu.memory_space<semaphore_mem>>
    %dma_wait3A_516 = tpu.memref_squeeze %dma_wait3A_515 : memref<1x!tpu.dma_semaphore, #tpu.memory_space<semaphore_mem>> -> memref<!tpu.dma_semaphore, #tpu.memory_space<semaphore_mem>>
    tpu.wait_indirect_dma semaphore(%dma_wait3A_516 : memref<!tpu.dma_semaphore, #tpu.memory_space<semaphore_mem>>) src(%dma_wait3A_514 : memref<8192x256xf32, #tpu.memory_space<hbm>>) dst(%arg8 : memref<64x256xf32, #tpu.memory_space<vmem>>)
    %add3A_517 = arith.constant 896 : i32
    %add3A_518 = arith.addi %mul3A_2, %add3A_517 : i32
    %dma_start3A_519 = arith.constant 2 : i32
    %dma_start3A_520 = arith.constant 0 : i32
    %dma_start3A_521 = tpu.memref_slice %arg4[%add3A_518, %dma_start3A_520] : memref<32768x256xf32, #tpu.memory_space<hbm>> -> memref<64x256xf32, #tpu.memory_space<hbm>>
    %dma_start3A_522 = tpu.memref_slice %arg13[%dma_start3A_519] : memref<6x!tpu.dma_semaphore, #tpu.memory_space<semaphore_mem>> -> memref<1x!tpu.dma_semaphore, #tpu.memory_space<semaphore_mem>>
    %dma_start3A_523 = tpu.memref_squeeze %dma_start3A_522 : memref<1x!tpu.dma_semaphore, #tpu.memory_space<semaphore_mem>> -> memref<!tpu.dma_semaphore, #tpu.memory_space<semaphore_mem>>
    %dma_start3A_524 = arith.constant 0 : i32
    %dma_start3A_525 = tpu.memref_slice %arg4[%add3A_518, %dma_start3A_524] : memref<32768x256xf32, #tpu.memory_space<hbm>> -> memref<64x256xf32, #tpu.memory_space<hbm>>
    tpu.enqueue_dma source(%arg8 : memref<64x256xf32, #tpu.memory_space<vmem>>) target(%dma_start3A_525 : memref<64x256xf32, #tpu.memory_space<hbm>>) target_semaphore(%dma_start3A_523 : memref<!tpu.dma_semaphore, #tpu.memory_space<semaphore_mem>>)
    %dma_wait3A_526 = arith.constant 15 : i32
    %dma_wait3A_527 = arith.constant 3 : i32
    %dma_wait3A_528 = arith.constant 0 : i32
    %dma_wait3A_529 = tpu.memref_slice %arg5[%dma_wait3A_526, %dma_wait3A_528] : memref<16x64xi32, #tpu.memory_space<vmem>> -> memref<1x64xi32, #tpu.memory_space<vmem>>
    %dma_wait3A_530 = tpu.memref_squeeze %dma_wait3A_529 : memref<1x64xi32, #tpu.memory_space<vmem>> -> memref<64xi32, #tpu.memory_space<vmem>>
    %dma_wait3A_531 = arith.constant 0 : i32
    %dma_wait3A_532 = arith.constant 0 : i32
    %dma_wait3A_533 = tpu.memref_slice %arg2[%dma_wait3A_531, %dma_wait3A_532] : memref<8192x256xf32, #tpu.memory_space<hbm>> -> memref<8192x256xf32, #tpu.memory_space<hbm>>
    %dma_wait3A_534 = tpu.memref_slice %arg12[%dma_wait3A_527] : memref<6x!tpu.dma_semaphore, #tpu.memory_space<semaphore_mem>> -> memref<1x!tpu.dma_semaphore, #tpu.memory_space<semaphore_mem>>
    %dma_wait3A_535 = tpu.memref_squeeze %dma_wait3A_534 : memref<1x!tpu.dma_semaphore, #tpu.memory_space<semaphore_mem>> -> memref<!tpu.dma_semaphore, #tpu.memory_space<semaphore_mem>>
    tpu.wait_indirect_dma semaphore(%dma_wait3A_535 : memref<!tpu.dma_semaphore, #tpu.memory_space<semaphore_mem>>) src(%dma_wait3A_533 : memref<8192x256xf32, #tpu.memory_space<hbm>>) dst(%arg9 : memref<64x256xf32, #tpu.memory_space<vmem>>)
    %add3A_536 = arith.constant 960 : i32
    %add3A_537 = arith.addi %mul3A_2, %add3A_536 : i32
    %dma_start3A_538 = arith.constant 3 : i32
    %dma_start3A_539 = arith.constant 0 : i32
    %dma_start3A_540 = tpu.memref_slice %arg4[%add3A_537, %dma_start3A_539] : memref<32768x256xf32, #tpu.memory_space<hbm>> -> memref<64x256xf32, #tpu.memory_space<hbm>>
    %dma_start3A_541 = tpu.memref_slice %arg13[%dma_start3A_538] : memref<6x!tpu.dma_semaphore, #tpu.memory_space<semaphore_mem>> -> memref<1x!tpu.dma_semaphore, #tpu.memory_space<semaphore_mem>>
    %dma_start3A_542 = tpu.memref_squeeze %dma_start3A_541 : memref<1x!tpu.dma_semaphore, #tpu.memory_space<semaphore_mem>> -> memref<!tpu.dma_semaphore, #tpu.memory_space<semaphore_mem>>
    %dma_start3A_543 = arith.constant 0 : i32
    %dma_start3A_544 = tpu.memref_slice %arg4[%add3A_537, %dma_start3A_543] : memref<32768x256xf32, #tpu.memory_space<hbm>> -> memref<64x256xf32, #tpu.memory_space<hbm>>
    tpu.enqueue_dma source(%arg9 : memref<64x256xf32, #tpu.memory_space<vmem>>) target(%dma_start3A_544 : memref<64x256xf32, #tpu.memory_space<hbm>>) target_semaphore(%dma_start3A_542 : memref<!tpu.dma_semaphore, #tpu.memory_space<semaphore_mem>>)
    %dma_wait3A_545 = arith.constant 4 : i32
    %dma_wait3A_546 = arith.constant 0 : i32
    %dma_wait3A_547 = tpu.memref_slice %arg4[%add3A_391, %dma_wait3A_546] : memref<32768x256xf32, #tpu.memory_space<hbm>> -> memref<64x256xf32, #tpu.memory_space<hbm>>
    %dma_wait3A_548 = tpu.memref_slice %arg13[%dma_wait3A_545] : memref<6x!tpu.dma_semaphore, #tpu.memory_space<semaphore_mem>> -> memref<1x!tpu.dma_semaphore, #tpu.memory_space<semaphore_mem>>
    %dma_wait3A_549 = tpu.memref_squeeze %dma_wait3A_548 : memref<1x!tpu.dma_semaphore, #tpu.memory_space<semaphore_mem>> -> memref<!tpu.dma_semaphore, #tpu.memory_space<semaphore_mem>>
    %dma_wait3A_550 = arith.constant 0 : i32
    %dma_wait3A_551 = tpu.memref_slice %arg4[%add3A_391, %dma_wait3A_550] : memref<32768x256xf32, #tpu.memory_space<hbm>> -> memref<64x256xf32, #tpu.memory_space<hbm>>
    tpu.wait_dma2 semaphore(%dma_wait3A_549 : memref<!tpu.dma_semaphore, #tpu.memory_space<semaphore_mem>>) src(%arg10 : memref<64x256xf32, #tpu.memory_space<vmem>>) dst(%dma_wait3A_551 : memref<64x256xf32, #tpu.memory_space<hbm>>)
    %dma_wait3A_552 = arith.constant 5 : i32
    %dma_wait3A_553 = arith.constant 0 : i32
    %dma_wait3A_554 = tpu.memref_slice %arg4[%add3A_427, %dma_wait3A_553] : memref<32768x256xf32, #tpu.memory_space<hbm>> -> memref<64x256xf32, #tpu.memory_space<hbm>>
    %dma_wait3A_555 = tpu.memref_slice %arg13[%dma_wait3A_552] : memref<6x!tpu.dma_semaphore, #tpu.memory_space<semaphore_mem>> -> memref<1x!tpu.dma_semaphore, #tpu.memory_space<semaphore_mem>>
    %dma_wait3A_556 = tpu.memref_squeeze %dma_wait3A_555 : memref<1x!tpu.dma_semaphore, #tpu.memory_space<semaphore_mem>> -> memref<!tpu.dma_semaphore, #tpu.memory_space<semaphore_mem>>
    %dma_wait3A_557 = arith.constant 0 : i32
    %dma_wait3A_558 = tpu.memref_slice %arg4[%add3A_427, %dma_wait3A_557] : memref<32768x256xf32, #tpu.memory_space<hbm>> -> memref<64x256xf32, #tpu.memory_space<hbm>>
    tpu.wait_dma2 semaphore(%dma_wait3A_556 : memref<!tpu.dma_semaphore, #tpu.memory_space<semaphore_mem>>) src(%arg11 : memref<64x256xf32, #tpu.memory_space<vmem>>) dst(%dma_wait3A_558 : memref<64x256xf32, #tpu.memory_space<hbm>>)
    %dma_wait3A_559 = arith.constant 0 : i32
    %dma_wait3A_560 = arith.constant 0 : i32
    %dma_wait3A_561 = tpu.memref_slice %arg4[%add3A_463, %dma_wait3A_560] : memref<32768x256xf32, #tpu.memory_space<hbm>> -> memref<64x256xf32, #tpu.memory_space<hbm>>
    %dma_wait3A_562 = tpu.memref_slice %arg13[%dma_wait3A_559] : memref<6x!tpu.dma_semaphore, #tpu.memory_space<semaphore_mem>> -> memref<1x!tpu.dma_semaphore, #tpu.memory_space<semaphore_mem>>
    %dma_wait3A_563 = tpu.memref_squeeze %dma_wait3A_562 : memref<1x!tpu.dma_semaphore, #tpu.memory_space<semaphore_mem>> -> memref<!tpu.dma_semaphore, #tpu.memory_space<semaphore_mem>>
    %dma_wait3A_564 = arith.constant 0 : i32
    %dma_wait3A_565 = tpu.memref_slice %arg4[%add3A_463, %dma_wait3A_564] : memref<32768x256xf32, #tpu.memory_space<hbm>> -> memref<64x256xf32, #tpu.memory_space<hbm>>
    tpu.wait_dma2 semaphore(%dma_wait3A_563 : memref<!tpu.dma_semaphore, #tpu.memory_space<semaphore_mem>>) src(%arg6 : memref<64x256xf32, #tpu.memory_space<vmem>>) dst(%dma_wait3A_565 : memref<64x256xf32, #tpu.memory_space<hbm>>)
    %dma_wait3A_566 = arith.constant 1 : i32
    %dma_wait3A_567 = arith.constant 0 : i32
    %dma_wait3A_568 = tpu.memref_slice %arg4[%add3A_499, %dma_wait3A_567] : memref<32768x256xf32, #tpu.memory_space<hbm>> -> memref<64x256xf32, #tpu.memory_space<hbm>>
    %dma_wait3A_569 = tpu.memref_slice %arg13[%dma_wait3A_566] : memref<6x!tpu.dma_semaphore, #tpu.memory_space<semaphore_mem>> -> memref<1x!tpu.dma_semaphore, #tpu.memory_space<semaphore_mem>>
    %dma_wait3A_570 = tpu.memref_squeeze %dma_wait3A_569 : memref<1x!tpu.dma_semaphore, #tpu.memory_space<semaphore_mem>> -> memref<!tpu.dma_semaphore, #tpu.memory_space<semaphore_mem>>
    %dma_wait3A_571 = arith.constant 0 : i32
    %dma_wait3A_572 = tpu.memref_slice %arg4[%add3A_499, %dma_wait3A_571] : memref<32768x256xf32, #tpu.memory_space<hbm>> -> memref<64x256xf32, #tpu.memory_space<hbm>>
    tpu.wait_dma2 semaphore(%dma_wait3A_570 : memref<!tpu.dma_semaphore, #tpu.memory_space<semaphore_mem>>) src(%arg7 : memref<64x256xf32, #tpu.memory_space<vmem>>) dst(%dma_wait3A_572 : memref<64x256xf32, #tpu.memory_space<hbm>>)
    %dma_wait3A_573 = arith.constant 2 : i32
    %dma_wait3A_574 = arith.constant 0 : i32
    %dma_wait3A_575 = tpu.memref_slice %arg4[%add3A_518, %dma_wait3A_574] : memref<32768x256xf32, #tpu.memory_space<hbm>> -> memref<64x256xf32, #tpu.memory_space<hbm>>
    %dma_wait3A_576 = tpu.memref_slice %arg13[%dma_wait3A_573] : memref<6x!tpu.dma_semaphore, #tpu.memory_space<semaphore_mem>> -> memref<1x!tpu.dma_semaphore, #tpu.memory_space<semaphore_mem>>
    %dma_wait3A_577 = tpu.memref_squeeze %dma_wait3A_576 : memref<1x!tpu.dma_semaphore, #tpu.memory_space<semaphore_mem>> -> memref<!tpu.dma_semaphore, #tpu.memory_space<semaphore_mem>>
    %dma_wait3A_578 = arith.constant 0 : i32
    %dma_wait3A_579 = tpu.memref_slice %arg4[%add3A_518, %dma_wait3A_578] : memref<32768x256xf32, #tpu.memory_space<hbm>> -> memref<64x256xf32, #tpu.memory_space<hbm>>
    tpu.wait_dma2 semaphore(%dma_wait3A_577 : memref<!tpu.dma_semaphore, #tpu.memory_space<semaphore_mem>>) src(%arg8 : memref<64x256xf32, #tpu.memory_space<vmem>>) dst(%dma_wait3A_579 : memref<64x256xf32, #tpu.memory_space<hbm>>)
    %dma_wait3A_580 = arith.constant 3 : i32
    %dma_wait3A_581 = arith.constant 0 : i32
    %dma_wait3A_582 = tpu.memref_slice %arg4[%add3A_537, %dma_wait3A_581] : memref<32768x256xf32, #tpu.memory_space<hbm>> -> memref<64x256xf32, #tpu.memory_space<hbm>>
    %dma_wait3A_583 = tpu.memref_slice %arg13[%dma_wait3A_580] : memref<6x!tpu.dma_semaphore, #tpu.memory_space<semaphore_mem>> -> memref<1x!tpu.dma_semaphore, #tpu.memory_space<semaphore_mem>>
    %dma_wait3A_584 = tpu.memref_squeeze %dma_wait3A_583 : memref<1x!tpu.dma_semaphore, #tpu.memory_space<semaphore_mem>> -> memref<!tpu.dma_semaphore, #tpu.memory_space<semaphore_mem>>
    %dma_wait3A_585 = arith.constant 0 : i32
    %dma_wait3A_586 = tpu.memref_slice %arg4[%add3A_537, %dma_wait3A_585] : memref<32768x256xf32, #tpu.memory_space<hbm>> -> memref<64x256xf32, #tpu.memory_space<hbm>>
    tpu.wait_dma2 semaphore(%dma_wait3A_584 : memref<!tpu.dma_semaphore, #tpu.memory_space<semaphore_mem>>) src(%arg9 : memref<64x256xf32, #tpu.memory_space<vmem>>) dst(%dma_wait3A_586 : memref<64x256xf32, #tpu.memory_space<hbm>>)
    return
  }
}

module attributes {stable_mosaic.version = 14 : i64} {
  func.func @_tc_body(%arg0: i32, %arg1: memref<512x256xf32, #tpu.memory_space<vmem>>, %arg2: memref<256x8192xf32, #tpu.memory_space<vmem>>, %arg3: memref<1x8192xf32, #tpu.memory_space<vmem>>, %arg4: memref<1x1x512xi32, #tpu.memory_space<vmem>>, %arg5: memref<1x1xf32, #tpu.memory_space<vmem>>) attributes {dimension_semantics = [#tpu.dimension_semantics<arbitrary>], iteration_bounds = array<i64: 64>, scalar_prefetch = 0 : i64, scratch_operands = 0 : i64, tpu.core_type = #tpu.core_type<tc>, window_params = [{transform_indices = @transform_0, window_bounds = array<i64: 512, 256>}, {pipeline_mode = #tpu.pipeline_mode<synchronous>, transform_indices = @transform_1, window_bounds = array<i64: 256, 8192>}, {pipeline_mode = #tpu.pipeline_mode<synchronous>, transform_indices = @transform_2, window_bounds = array<i64: 1, 8192>}, {transform_indices = @transform_3, window_bounds = array<i64: 1, 1, 512>}, {pipeline_mode = #tpu.pipeline_mode<synchronous>, transform_indices = @transform_4, window_bounds = array<i64: 1, 1>}]} {
    %get3A = arith.constant 0 : index
    %get3A_0 = arith.constant 0 : index
    %get3A_1 = vector.load %arg1[%get3A, %get3A_0] : memref<512x256xf32, #tpu.memory_space<vmem>>, vector<512x256xf32>
    %get3A_2 = arith.constant 0 : index
    %get3A_3 = arith.constant 0 : index
    %get3A_4 = vector.load %arg2[%get3A_2, %get3A_3] : memref<256x8192xf32, #tpu.memory_space<vmem>>, vector<256x8192xf32>
    %dot_general3A = arith.constant dense<0.000000e+00> : vector<512x8192xf32>
    %dot_general3A_5 = tpu.matmul %get3A_1, %get3A_4, %dot_general3A {dimension_numbers = #tpu.dot_dimension_numbers<[1], [0], [0], [1], [0, 0, 1, 1], [], []>, transpose_lhs_hint = false} : vector<512x256xf32>, vector<256x8192xf32>, vector<512x8192xf32> -> vector<512x8192xf32>
    %get3A_6 = arith.constant 0 : index
    %get3A_7 = arith.constant 0 : index
    %get3A_8 = vector.load %arg3[%get3A_6, %get3A_7] : memref<1x8192xf32, #tpu.memory_space<vmem>>, vector<1x8192xf32>
    %sub3A = vector.broadcast %get3A_8 : vector<1x8192xf32> to vector<512x8192xf32>
    %sub3A_9 = arith.subf %dot_general3A_5, %sub3A : vector<512x8192xf32>
    %argmax3A = tpu.reduce_index %sub3A_9 {axis = 1 : i32, kind = #tpu.reduction_kind<arg_max>} : vector<512x8192xf32> -> vector<512xi32>
    %swap3A = arith.constant 0 : index
    %swap3A_10 = arith.constant 0 : index
    %swap3A_11 = arith.constant 0 : index
    %swap3A_12 = vector.load %arg4[%swap3A, %swap3A_10, %swap3A_11] : memref<1x1x512xi32, #tpu.memory_space<vmem>>, vector<1x1x512xi32>
    %swap3A_13 = vector.shape_cast %swap3A_12 : vector<1x1x512xi32> to vector<512xi32>
    %swap3A_14 = vector.shape_cast %argmax3A : vector<512xi32> to vector<1x1x512xi32>
    tpu.vector_store %arg4[%swap3A, %swap3A_10, %swap3A_11], %swap3A_14 {strides = array<i32>} : memref<1x1x512xi32, #tpu.memory_space<vmem>>, vector<1x1x512xi32>,
    %reduce_max3A = arith.constant dense<0xFF800000> : vector<512xf32>
    %reduce_max3A_15 = vector.multi_reduction <maximumf>, %sub3A_9, %reduce_max3A [1] : vector<512x8192xf32> to vector<512xf32>
    %mul3A = arith.mulf %get3A_1, %get3A_1 : vector<512x256xf32>
    %reduce_sum3A = arith.constant dense<0.000000e+00> : vector<512xf32>
    %reduce_sum3A_16 = vector.multi_reduction <add>, %mul3A, %reduce_sum3A [1] : vector<512x256xf32> to vector<512xf32>
    %reduce_sum3A_17 = vector.shape_cast %reduce_sum3A_16 : vector<512xf32> to vector<1x512xf32>
    %reduce_sum3A_18 = arith.constant dense<0.000000e+00> : vector<1xf32>
    %reduce_sum3A_19 = vector.multi_reduction <add>, %reduce_sum3A_17, %reduce_sum3A_18 [1] : vector<1x512xf32> to vector<1xf32>
    %reduce_sum3A_20 = vector.shape_cast %reduce_sum3A_19 : vector<1xf32> to vector<1x1xf32>
    %reduce_sum3A_21 = vector.extract %reduce_sum3A_20[0, 0] : f32 from vector<1x1xf32>
    %reduce_sum3A_22 = vector.shape_cast %reduce_max3A_15 : vector<512xf32> to vector<1x512xf32>
    %reduce_sum3A_23 = arith.constant dense<0.000000e+00> : vector<1xf32>
    %reduce_sum3A_24 = vector.multi_reduction <add>, %reduce_sum3A_22, %reduce_sum3A_23 [1] : vector<1x512xf32> to vector<1xf32>
    %reduce_sum3A_25 = vector.shape_cast %reduce_sum3A_24 : vector<1xf32> to vector<1x1xf32>
    %reduce_sum3A_26 = vector.extract %reduce_sum3A_25[0, 0] : f32 from vector<1x1xf32>
    %mul3A_27 = arith.constant 2.000000e+00 : f32
    %mul3A_28 = arith.mulf %mul3A_27, %reduce_sum3A_26 : f32
    %sub3A_29 = arith.subf %reduce_sum3A_21, %mul3A_28 : f32
    %reshape3A = vector.broadcast %sub3A_29 : f32 to vector<1x1xf32>
    %eq3A = arith.constant 0 : i32
    %eq3A_30 = arith.cmpi eq, %arg0, %eq3A : i32
    %convert_element_type3A = arith.extui %eq3A_30 : i1 to i32
    %cond3A = arith.constant 0 : i32
    %cond3A_31 = arith.cmpi ne, %convert_element_type3A, %cond3A : i32
    scf.if %cond3A_31 {
      %swap3A_36 = arith.constant 0 : index
      %swap3A_37 = arith.constant 0 : index
      %swap3A_38 = vector.load %arg5[%swap3A_36, %swap3A_37] : memref<1x1xf32, #tpu.memory_space<vmem>>, vector<1x1xf32>
      tpu.vector_store %arg5[%swap3A_36, %swap3A_37], %reshape3A {strides = array<i32>} : memref<1x1xf32, #tpu.memory_space<vmem>>, vector<1x1xf32>,
    } else {
    }
    %ne3A = arith.constant 0 : i32
    %ne3A_32 = arith.cmpi ne, %arg0, %ne3A : i32
    %convert_element_type3A_33 = arith.extui %ne3A_32 : i1 to i32
    %cond3A_34 = arith.constant 0 : i32
    %cond3A_35 = arith.cmpi ne, %convert_element_type3A_33, %cond3A_34 : i32
    scf.if %cond3A_35 {
      %get3A_36 = arith.constant 0 : index
      %get3A_37 = arith.constant 0 : index
      %get3A_38 = vector.load %arg5[%get3A_36, %get3A_37] : memref<1x1xf32, #tpu.memory_space<vmem>>, vector<1x1xf32>
      %add3A = arith.addf %get3A_38, %reshape3A : vector<1x1xf32>
      %swap3A_39 = arith.constant 0 : index
      %swap3A_40 = arith.constant 0 : index
      %swap3A_41 = vector.load %arg5[%swap3A_39, %swap3A_40] : memref<1x1xf32, #tpu.memory_space<vmem>>, vector<1x1xf32>
      tpu.vector_store %arg5[%swap3A_39, %swap3A_40], %add3A {strides = array<i32>} : memref<1x1xf32, #tpu.memory_space<vmem>>, vector<1x1xf32>,
    } else {
    }
    return
  }
  func.func @transform_0(%arg0: i32) -> (i32, i32) {
    %c0_i32 = arith.constant 0 : i32
    %c0_i32_0 = arith.constant 0 : i32
    return %arg0, %c0_i32 : i32, i32
  }
  func.func @transform_1(%arg0: i32) -> (i32, i32) {
    %c0_i32 = arith.constant 0 : i32
    %c0_i32_0 = arith.constant 0 : i32
    %c0_i32_1 = arith.constant 0 : i32
    return %c0_i32, %c0_i32_0 : i32, i32
  }
  func.func @transform_2(%arg0: i32) -> (i32, i32) {
    %c0_i32 = arith.constant 0 : i32
    %c0_i32_0 = arith.constant 0 : i32
    %c0_i32_1 = arith.constant 0 : i32
    return %c0_i32, %c0_i32_0 : i32, i32
  }
  func.func @transform_3(%arg0: i32) -> (i32, i32, i32) {
    %c0_i32 = arith.constant 0 : i32
    %c0_i32_0 = arith.constant 0 : i32
    %c0_i32_1 = arith.constant 0 : i32
    return %arg0, %c0_i32, %c0_i32_0 : i32, i32, i32
  }
  func.func @transform_4(%arg0: i32) -> (i32, i32) {
    %c0_i32 = arith.constant 0 : i32
    %c0_i32_0 = arith.constant 0 : i32
    %c0_i32_1 = arith.constant 0 : i32
    return %c0_i32, %c0_i32_0 : i32, i32
  }
}

module attributes {stable_mosaic.version = 14 : i64} {
  func.func @_e2h_body(%arg0: memref<256x8192xf32, #tpu.memory_space<vmem>>, %arg1: memref<1x8192xf32, #tpu.memory_space<vmem>>, %arg2: memref<8192x256xf32, #tpu.memory_space<vmem>>) attributes {dimension_semantics = [], scalar_prefetch = 0 : i64, scratch_operands = 0 : i64, tpu.core_type = #tpu.core_type<tc>} {
    %get3A = arith.constant 0 : index
    %get3A_0 = arith.constant 0 : index
    %get3A_1 = vector.load %arg0[%get3A, %get3A_0] : memref<256x8192xf32, #tpu.memory_space<vmem>>, vector<256x8192xf32>
    %mul3A = arith.mulf %get3A_1, %get3A_1 : vector<256x8192xf32>
    %reduce_sum3A = arith.constant dense<0.000000e+00> : vector<8192xf32>
    %reduce_sum3A_2 = vector.multi_reduction <add>, %mul3A, %reduce_sum3A [0] : vector<256x8192xf32> to vector<8192xf32>
    %broadcast_in_dim3A = vector.shape_cast %reduce_sum3A_2 : vector<8192xf32> to vector<1x8192xf32>
    %mul3A_3 = arith.constant 5.000000e-01 : f32
    %mul3A_4 = vector.broadcast %mul3A_3 : f32 to vector<1x8192xf32>
    %mul3A_5 = arith.mulf %mul3A_4, %broadcast_in_dim3A : vector<1x8192xf32>
    %swap3A = arith.constant 0 : index
    %swap3A_6 = arith.constant 0 : index
    %swap3A_7 = vector.load %arg1[%swap3A, %swap3A_6] : memref<1x8192xf32, #tpu.memory_space<vmem>>, vector<1x8192xf32>
    tpu.vector_store %arg1[%swap3A, %swap3A_6], %mul3A_5 {strides = array<i32>} : memref<1x8192xf32, #tpu.memory_space<vmem>>, vector<1x8192xf32>,
    %transpose3A = tpu.transpose %get3A_1, [1, 0] : vector<256x8192xf32> -> vector<8192x256xf32>
    %swap3A_8 = arith.constant 0 : index
    %swap3A_9 = arith.constant 0 : index
    %swap3A_10 = vector.load %arg2[%swap3A_8, %swap3A_9] : memref<8192x256xf32, #tpu.memory_space<vmem>>, vector<8192x256xf32>
    tpu.vector_store %arg2[%swap3A_8, %swap3A_9], %transpose3A {strides = array<i32>} : memref<8192x256xf32, #tpu.memory_space<vmem>>, vector<8192x256xf32>,
    return
  }
}

</mosaic_0001>

<sc_bundles>
// kernel: kernel.5.cloned.1.call-start
scs
__scs_entry_jumppad:
0x0: {  	(pc) =	sbr.rel $0x88, $3  }
0x1: {  	(tag) =	ssettag $0x0;
	lr =	simm.s32 $0x1  }
0x2: {  	[smem:$0x3F9F] =	sst lr;
	_ =	strace $0xD0000000  }
0x3: {  	_ = 	snop  }
0x4: {  	_ = 	snop  }
0x5: {  	_ = 	snop  }
0x6: {  	_ = 	snop  }
0x7: {  	_ = 	snop  }
__scs_overlays_trampoline_lowered:
0x8: {  	[smem:$0x3FAE] =	sst s0  }
0x9: {  	[smem:$0x3FAF] =	sst s1  }
0xa: {  	[smem:$0x3FB0] =	sst s2  }
0xb: {  	[smem:$0x3FB1] =	sst s3  }
0xc: {  	[smem:$0x3FB2] =	sst s4  }
0xd: {  	[smem:$0x3FB3] =	sst s5  }
0xe: {  	[smem:$0x3FB4] =	sst s6  }
0xf: {  	[smem:$0x3FB5] =	sst s7  }
0x10: {  	[smem:$0x3FB6] =	sst s8  }
0x11: {  	[smem:$0x3FB7] =	sst s9;
	s0 =	simm.s32 @!p0 $0x0  }
0x12: {  	s1 =	sld [smem:$0x3F9D];
	s0 =	simm.s32 @p0 $0x1  }
0x13: {  	[smem:$0x3FB8] =	sst s0;
	s0 =	simm.s32 @!p1 $0x0  }
0x14: {  	s2 =	sld [smem:$0x3F9C];
	s0 =	simm.s32 @p1 $0x1  }
0x15: {  	[smem:$0x3FB9] =	sst s0;
	s0 =	simm.s32 @!p2 $0x0  }
0x16: {  	s3 =	sld [smem:$0x3FDB];
	s0 =	simm.s32 @p2 $0x1  }
0x17: {  	s4 =	simm.s32 $0x1BF5;
	[smem:$0x3FBB] =	sst s0  }
0x18: {  	s0 =	sld [smem:$0x3F9E];
	_ =	swait.ge [sflag:s4], $0x0  }
0x19: {  	s7 =	sld [smem:$0x3F9F]  }
0x1a: {  	s8 =	sadd.s32 $0xFFFFE003, lr  }
0x1b: {  	s9 =	sadd.s32 $0xFFFFFEF7, lr;
	s5 =	simm.s32 $0xFFFFFFFF;
	p2 =	slt.u32 s8, $0xFFFFF086  }
0x1c: {  	p1 =	slt.u32 s9, $0xF7A;
	s5 =	simm.s32 @!p2 $0x0  }
0x1d: {  	s5 =	simm.s32 @p1 $0x1;
	p0 =	seq.s32 s7, s2  }
0x1e: {  	s7 =	smul.u32 @!p0 $0xF7A, s2;
	p2 =	seq.s32 @!p0 s5, $0x0  }
0x1f: {  	s9 =	smul.u32 $0xF7A, s1;
	s8 =	simm.s32 @!p0 $0x1BF5;
	p2 =	por !p2, p0  }
0x20: {  	[sflag:s8] =	ssyncset.s32 @!p0 $0xFFFFF086;
	s6 =	sadd.s32 @!p0 s3, s7;
	s7 =	simm.s32 @!p0 $0x108  }
0x21: {  	s3 =	sadd.s32 s3, s9;
	s6 =	sadd.s32 @!p0 $0x88, s6;
	s7 =	simm.s32 @p2 $0x1082  }
0x22: {  	[simem:s7], [sflag:s8] =	dma.local @!p0 [hbm:s6], $0xF7A  }
0x23: {  	s9 =	sor.u32 $0xD0000000, s2;
	s6 =	simm.s32 $0x108;
	_ =	swait.ge @!p0 [sflag:s8], $0x0  }
0x24: {  	s3 =	sadd.s32 $0x88, s3;
	s6 =	simm.s32 @!p1 $0x1082;
	[sflag:s4] =	ssyncset.s32 $0xFFFFF086  }
0x25: {  	[simem:s6], [sflag:s4] =	dma.local [hbm:s3], $0xF7A  }
0x26: {  	[smem:$0x3F9F] =	sst s1;
	(tag) =	ssettag s2;
	_ =	strace s9  }
0x27: {  	s1 =	sld [smem:$0x3FAF]  }
0x28: {  	s2 =	sld [smem:$0x3FB0]  }
0x29: {  	s4 =	sld [smem:$0x3FB2]  }
0x2a: {  	p0 =	seq.s32 s5, $0x0;
	s5 =	sld [smem:$0x3FB3]  }
0x2b: {  	s6 =	sld [smem:$0x3FB4]  }
0x2c: {  	s7 =	sld [smem:$0x3FB5]  }
0x2d: {  	s3 =	simm.s32 $0x108;
	s8 =	sld [smem:$0x3FB6]  }
0x2e: {  	s3 =	simm.s32 @!p0 $0x1082;
	s9 =	sld [smem:$0x3FB7]  }
0x2f: {  	lr =	sadd.s32 s0, s3;
	s0 =	sld [smem:$0x3FAE]  }
0x30: {  	s3 =	sld [smem:$0x3FB1]  }
0x31: {  	[smem:$0x3FBA] =	sst s10  }
0x32: {  	s10 =	sld [smem:$0x3FB8];
	_ =	sdelay $0x3  }
0x33: {  	p0 =	seq.s32 s10, $0x1;
	s10 =	sld [smem:$0x3FBA];
	_ =	sdelay $0x3  }
0x34: {  	[smem:$0x3FBA] =	sst s10  }
0x35: {  	s10 =	sld [smem:$0x3FB9];
	_ =	sdelay $0x3  }
0x36: {  	p1 =	seq.s32 s10, $0x1;
	s10 =	sld [smem:$0x3FBA];
	_ =	sdelay $0x3  }
0x37: {  	[smem:$0x3FBA] =	sst s10  }
0x38: {  	s10 =	sld [smem:$0x3FBB]  }
0x39: {  	_ = 	snop;
	(pc) =	sbr.ind lr, $3  }
0x3a: {  	_ = 	snop  }
0x3b: {  	_ = 	snop  }
0x3c: {  	p2 =	seq.s32 s10, $0x1;
	s10 =	sld [smem:$0x3FBA]  }
0x3d: {  	_ =	shalt  }
0x3e: {  	_ =	shalt  }
0x3f: {  	_ =	shalt  }
0x40: {  	_ =	shalt  }
0x41: {  	_ =	shalt  }
0x42: {  	_ =	shalt  }
0x43: {  	_ =	shalt  }
0x44: {  	_ =	shalt  }
0x45: {  	_ =	shalt  }
0x46: {  	_ =	shalt  }
0x47: {  	_ =	shalt  }
0x48: {  	_ =	shalt  }
0x49: {  	_ =	shalt  }
0x4a: {  	_ =	shalt  }
0x4b: {  	_ =	shalt  }
0x4c: {  	_ =	shalt  }
0x4d: {  	_ =	shalt  }
0x4e: {  	_ =	shalt  }
0x4f: {  	_ =	shalt  }
0x50: {  	_ =	shalt  }
0x51: {  	_ =	shalt  }
0x52: {  	_ =	shalt  }
0x53: {  	_ =	shalt  }
0x54: {  	_ =	shalt  }
0x55: {  	_ =	shalt  }
0x56: {  	_ =	shalt  }
0x57: {  	_ =	shalt  }
0x58: {  	_ =	shalt  }
0x59: {  	_ =	shalt  }
0x5a: {  	_ =	shalt  }
0x5b: {  	_ =	shalt  }
0x5c: {  	_ =	shalt  }
0x5d: {  	_ =	shalt  }
0x5e: {  	_ =	shalt  }
0x5f: {  	_ =	shalt  }
0x60: {  	_ =	shalt  }
0x61: {  	_ =	shalt  }
0x62: {  	_ =	shalt  }
0x63: {  	_ =	shalt  }
0x64: {  	_ =	shalt  }
0x65: {  	_ =	shalt  }
0x66: {  	_ =	shalt  }
0x67: {  	_ =	shalt  }
0x68: {  	_ =	shalt  }
0x69: {  	_ =	shalt  }
0x6a: {  	_ =	shalt  }
0x6b: {  	_ =	shalt  }
0x6c: {  	_ =	shalt  }
0x6d: {  	_ =	shalt  }
0x6e: {  	_ =	shalt  }
0x6f: {  	_ =	shalt  }
0x70: {  	_ =	shalt  }
0x71: {  	_ =	shalt  }
0x72: {  	_ =	shalt  }
0x73: {  	_ =	shalt  }
0x74: {  	_ =	shalt  }
0x75: {  	_ =	shalt  }
0x76: {  	_ =	shalt  }
0x77: {  	_ =	shalt  }
0x78: {  	_ =	shalt  }
0x79: {  	_ =	shalt  }
0x7a: {  	_ =	shalt  }
0x7b: {  	_ =	shalt  }
0x7c: {  	_ =	shalt  }
0x7d: {  	_ =	shalt  }
0x7e: {  	_ =	shalt  }
0x7f: {  	_ =	shalt  }
0x80: {  	_ =	shalt  }
0x81: {  	_ =	shalt  }
0x82: {  	_ =	shalt  }
0x83: {  	_ =	shalt  }
0x84: {  	_ =	shalt  }
0x85: {  	_ =	shalt  }
0x86: {  	_ =	shalt  }
0x87: {  	_ =	shalt  }
.Lfunc_end0:
.L_simem_size_0:
called_computation_lowered:
.L_overlay_start_0:
0x88: {  	s2 =	sld [smem:$0x3FD9]  }
0x89: {  	s3 =	sld [smem:$0x3FFE];
	_ =	sdelay $0x1  }
0x8a: {  	s1 =	srdreg.scid  }
0x8b: {  	s0 =	sand.u32 $0x1, s1  }
0x8c: {  	s14 =	sshll.u32 s0, $0xA;
	s2 =	sadd.s32 s3, s2  }
0x8d: {  	s2 =	sadd.s32 s2, s14  }
0x8e: {  	[smem:$0x3FC6] =	sst s2  }
0x8f: {  	_ = 	snop  }
0x90: {  	s2 =	sld [smem:$0x3FD0];
	_ =	sdelay $0x2  }
0x91: {  	s15 =	simm.s32 $0xA;
	s4 =	simm.s32 $0x10  }
0x92: {  	[smem:s4], [sflag:s15] =	dma.local [hbm:s2], $0x1  }
0x93: {  	_ =	swait.eq [sflag:s15], $0x1  }
0x94: {  	[sflag:s15] =	ssyncset.done $0x0  }
0x95: {  	[sflag:s15] =	ssyncadd.s32 $0xFFFFFFFF  }
0x96: {  	s16 =	sld [smem:$0x10];
	(tm) =	ssettm $0x1  }
0x97: {  	s17 =	sld [smem:$0x3FFB];
	_ =	sdelay $0x3  }
0x98: {  	_ =	strace s17  }
0x99: {  	s3 =	sld [smem:$0x3FFC];
	_ =	sdelay $0x3  }
0x9a: {  	_ =	strace s3  }
0x9b: {  	s3 =	sld [smem:$0x3FFD];
	_ =	sdelay $0x3  }
0x9c: {  	_ =	strace s3  }
0x9d: {  	_ =	strace $0x8FFFFFFF  }
0x9e: {  	s18 =	sld [smem:$0x3FDB];
	_ =	sdelay $0x1  }
0x9f: {  	s19 =	simm.s32 $_scs_section_size  }
0xa0: {  	s5 =	simm.s32 $_size__tile_overlayer_lowered;
	s6 =	simm.s32 $_tile_overlayer_lowered  }
0xa1: {  	s22 =	simm.s32 $0x1BFF;
	s21 =	sshll.u32 s6, $0x1;
	s3 =	sadd.s32 s19, s18  }
0xa2: {  	s7 =	simm.s32 $0x0;
	s20 =	sshll.u32 s5, $0x1;
	s5 =	sadd.s32 s21, s3  }
0xa3: {  	[timem:s7], [sflag:s22] =	dma.local [hbm:s5], s20  }
0xa4: {  	_ =	swait.ge [sflag:s22], s20  }
0xa5: {  	s4 =	ssub.s32 $0x0, s20;
	[sflag:s22] =	ssyncset.done $0x0  }
0xa6: {  	[sflag:s22] =	ssyncadd.s32 s4;
	_ =	sdelay $0x1  }
0xa7: {  	s23 =	simm.s32 $0x1B8B  }
0xa8: {  	_ =	swait.ge [sflag:s23], $0x1  }
0xa9: {  	[sflag:s23] =	ssyncset.done $0x0  }
0xaa: {  	s25 =	simm.s32 $0x1B8E;
	s24 =	sld [smem:$0x3FFE];
	[sflag:s23] =	ssyncadd.s32 $0xFFFFFFFF  }
0xab: {  	s26 =	simm.s32 $execute0_lowered;
	[smem:$0x3FD2] =	sst s25  }
0xac: {  	s5 =	sshll.u32 s26, $0x1;
	_ =	strace $0x80000046;
	[dreg:$0x1] =	wrdreg $0xFFFFFFFF  }
0xad: {  	s28 =	simm.s32 $_size_execute0_lowered;
	s3 =	sadd.s32 s3, s5;
	[dreg:$0x0] =	wrdreg $0x0  }
0xae: {  	s5 =	sshll.u32 s28, $0x1;
	[dreg:$0x2] =	wrdreg s3  }
0xaf: {  	[dreg:$0x3] =	wrdreg s5  }
0xb0: {  	[dreg:$0x4] =	wrdreg $0xC0  }
0xb1: {  	_ =	task [dreg:s7], $0x5FFFF  }
0xb2: {  	[dreg:$0x1] =	wrdreg $0xFFFFFFFF  }
0xb3: {  	[dreg:$0x0] =	wrdreg $0x60  }
0xb4: {  	[dreg:$0x2] =	wrdreg s24  }
0xb5: {  	[dreg:$0x3] =	wrdreg s16  }
0xb6: {  	[dreg:$0x4] =	wrdreg $0x9  }
0xb7: {  	_ =	task.clear_ibuf [dreg:s7], $0x5FFFF;
	_ =	strace $0x90000046  }
0xb8: {  	s29 =	simm.s32 $0x9;
	_ =	strace $0x80000048  }
0xb9: {  	_ =	swait.ge [sflag:s29], $0x1  }
0xba: {  	[sflag:s29] =	ssyncadd.s32 $0xFFFFFFFF  }
0xbb: {  	_ =	strace $0x90000048  }
0xbc: {  	_ =	sfence  }
0xbd: {  	s30 =	sld [smem:$0x0];
	_ =	sdelay $0x2  }
0xbe: {  	s31 =	sshll.u32 s1, $0xD;
	s1 =	sshrl.u32 s1, $0x2  }
0xbf: {  	s3 =	sand.u32 $0x4000, s31;
	s1 =	sadd.s32 s1, s30  }
0xc0: {  	s0 =	sor.u32 s3, s0;
	s1 =	sshll.u32 s1, $0x11  }
0xc1: {  	s0 =	sor.u32 s1, s0  }
0xc2: {  	s0 =	sadd.s32 $0x8F2B, s0  }
0xc3: {  	[sflag:s0] =	ssyncadd.remote.s32 $0x1  }
0xc4: {  	_ =	sfence.sel $0xFFFF  }
0xc5: {  	[dreg:$0x0] =	wrdreg $0xFFFFFFFF;
	(pc) =	sbr.abs _section_cstart, $3  }
0xc6: {  	[dreg:$0x1] =	wrdreg $0xFFFFFFFF  }
0xc7: {  	_ =	task.clear_ibuf [dreg:s7], $0x2FFFF;
	_ =	strace $0x9FFFFFFF  }
0xc8: {  	(tm) =	ssettm $0x7FFFFFFF  }
0xc9: {  	_ =	shalt  }
tec
execute0_lowered:
.L_overlay_start_1:
0x0: {  	(tag) =	ssettag $0x1  }
0x1: {  	s0 =	srdreg.scid;
	s2 =	stileid.u32  }
0x2: {  	s1 =	rddreg [dreg:$0x0];
	s0 =	sand.u32 $0x1, s0;
	s2 =	sshll.u32 s2, $0x1  }
0x3: {  	s3 =	rddreg [dreg:$0x1];
	s4 =	sor.u32 s0, s2  }
0x4: {  	s2 =	simm.s32 $0x0;
	s5 =	sshll.u32 s4, $0x8;
	s4 =	sshll.u32 s4, $0xF  }
0x5: {  	[smem:$0x7FF] =	sst s2;
	s5 =	sadd.s32 s5, s1;
	s6 =	sadd.s32 s3, s4  }
0x6: {  	_ =	strace $0x80000047;
	s5 =	sadd.s32 $0x40A00, s5;
	[dreg:$0x13] =	wrdreg s6  }
0x7: {  	s3 =	sadd.s32 $0x800, s6;
	[dreg:$0x3] =	wrdreg s5  }
0x8: {  	s13 =	sadd.s32 $0x1000, s6;
	[dreg:$0x4] =	wrdreg s3  }
0x9: {  	s7 =	simm.s32 $0x10800;
	s14 =	sadd.s32 $0x1800, s6;
	[dreg:$0x5] =	wrdreg s13  }
0xa: {  	s11 =	simm.s32 $0x11000;
	s15 =	sadd.s32 $0x2000, s6;
	[dreg:$0x6] =	wrdreg s14  }
0xb: {  	s12 =	simm.s32 $0x11800;
	s16 =	sadd.s32 $0x2800, s6;
	[dreg:$0x7] =	wrdreg s15  }
0xc: {  	s9 =	simm.s32 $0x14800;
	s17 =	sadd.s32 $0x3000, s6;
	[dreg:$0x8] =	wrdreg s16  }
0xd: {  	s30 =	simm.s32 $0x15800;
	s18 =	sadd.s32 $0x3800, s6;
	[dreg:$0x9] =	wrdreg s17  }
0xe: {  	s31 =	simm.s32 $0x16000;
	s19 =	sadd.s32 $0x4000, s6;
	[dreg:$0xa] =	wrdreg s18  }
0xf: {  	s28 =	simm.s32 $0x17800;
	s20 =	sadd.s32 $0x4800, s6;
	[dreg:$0xb] =	wrdreg s19  }
0x10: {  	s0 =	ssub.s32 $0x2, s0;
	s21 =	sadd.s32 $0x5000, s6;
	[dreg:$0xc] =	wrdreg s20  }
0x11: {  	s25 =	sshrl.u32 s0, $0x1;
	s22 =	sadd.s32 $0x5800, s6;
	[dreg:$0xd] =	wrdreg s21  }
0x12: {  	s4 =	sadd.s32 $0xA00, s1;
	s23 =	sadd.s32 $0x6000, s6;
	[dreg:$0xe] =	wrdreg s22  }
0x13: {  	s0 =	ssub.s32 s0, s25;
	s24 =	sadd.s32 $0x6800, s6;
	[dreg:$0xf] =	wrdreg s23  }
0x14: {  	s25 =	simm.s32 $0xA;
	s26 =	sadd.s32 $0x7000, s6;
	[dreg:$0x10] =	wrdreg s24  }
0x15: {  	s29 =	sadd.s32 $0x7800, s6;
	s6 =	simm.s32 $0x8800;
	[dreg:$0x11] =	wrdreg s26  }
0x16: {  	[dreg:$0x12] =	wrdreg s29;
	s5 =	smax.u32 s0, $0x1;
	s22 =	simm.s32 $0x1  }
0x17: {  	s13 =	simm.s32 $0x2;
	s16 =	simm.s32 $0x3;
	s18 =	simm.s32 $0x4  }
0x18: {  	v2 =	vlaneseq.u32;
	s19 =	simm.s32 $0x7;
	s21 =	simm.s32 $0x8;
	s24 =	simm.s32 $0x9  }
0x19: {  	vm0 =	vmmov $0xffff;
	v1 =	vshrl.u32 v2, $0x3;
	s15 =	simm.s32 $0x800;
	s23 =	simm.s32 $0x4800;
	s20 =	simm.s32 $0xC800  }
0x1a: {  	v0 =	vand.u32 $0x7, v2;
	v2 =	vor.u32 $0x8, v2;
	v1 =	vmul.u32 $0x8, v1;
	s14 =	simm.s32 $0x12000;
	s17 =	simm.s32 $0x12800;
	s26 =	simm.s32 $0x13800  }
.LBB2_1:
0x1b: {  	s29 =	rddreg [dreg:$0x3];
	s10 =	simm.s32 $0xD  }
0x1c: {  	[tilespmem:s2], [sflag:$0xD] =	stream.linear.gather [hbm4b:s29+s2], $0x800, $0x38;
	[tilespmem:$0x18800] =	vst v63  }
0x1d: {  	_ =	swait.ge [sflag:s10], $0x800  }
0x1e: {  	[sflag:s10] =	ssyncset.done $0x0  }
0x1f: {  	[sflag:s10] =	ssyncadd.s32 $0xFFFFF800  }
0x20: {  	v3 =	vld [tilespmem:$0x0];
	_ =	sdelay $0x4  }
0x21: {  	v4 =	vshll.u32 v3, $0x1  }
0x22: {  	v3 =	vand.u32 $0x7, v3;
	v4 =	vand.u32 $0xFFFFFFF0, v4  }
0x23: {  	v3 =	vor.u32 v3, v4  }
0x24: {  	v4 =	vperm.xlane v3, v0;
	_ =	sdelay $0x1  }
0x25: {  	v3 =	vperm.xlane v3, v2;
	v4 =	vadd.s32 v1, v4;
	_ =	sdelay $0x1  }
0x26: {  	v3 =	vadd.s32 v1, v3;
	_ =	sdelay $0x2  }
0x27: {  	[tilespmem:s15], [sflag:$0x1] =	stream.indirect_vreg.gather [hbm4b:s4+s2], $0x80, v4, vm0, $0xb8;
	[tilespmem:$0x18800] =	vst v63  }
0x28: {  	s0 =	simm.s32 $0x1000  }
0x29: {  	[tilespmem:s0], [sflag:$0x1] =	stream.indirect_vreg.gather [hbm4b:s4+s2], $0x80, v3, vm0, $0xb8;
	[tilespmem:$0x18800] =	vst v63  }
0x2a: {  	v3 =	vld [tilespmem:$0x10];
	_ =	sdelay $0x4  }
0x2b: {  	v57 =	vshll.u32 v3, $0x1  }
0x2c: {  	v3 =	vand.u32 $0x7, v3;
	v4 =	vand.u32 $0xFFFFFFF0, v57  }
0x2d: {  	v3 =	vor.u32 v3, v4  }
0x2e: {  	v4 =	vperm.xlane v3, v0;
	_ =	sdelay $0x1  }
0x2f: {  	v3 =	vperm.xlane v3, v2;
	v4 =	vadd.s32 v1, v4;
	_ =	sdelay $0x1  }
0x30: {  	v3 =	vadd.s32 v1, v3;
	_ =	sdelay $0x1  }
0x31: {  	s29 =	simm.s32 $0x1800  }
0x32: {  	[tilespmem:s29], [sflag:$0x1] =	stream.indirect_vreg.gather [hbm4b:s4+s2], $0x80, v4, vm0, $0xb8;
	[tilespmem:$0x18800] =	vst v63  }
0x33: {  	s3 =	simm.s32 $0x2000  }
0x34: {  	[tilespmem:s3], [sflag:$0x1] =	stream.indirect_vreg.gather [hbm4b:s4+s2], $0x80, v3, vm0, $0xb8;
	[tilespmem:$0x18800] =	vst v63  }
0x35: {  	v3 =	vld [tilespmem:$0x20];
	_ =	sdelay $0x4  }
0x36: {  	v58 =	vshll.u32 v3, $0x1  }
0x37: {  	v3 =	vand.u32 $0x7, v3;
	v4 =	vand.u32 $0xFFFFFFF0, v58  }
0x38: {  	v3 =	vor.u32 v3, v4  }
0x39: {  	v4 =	vperm.xlane v3, v0;
	_ =	sdelay $0x1  }
0x3a: {  	v3 =	vperm.xlane v3, v2;
	v4 =	vadd.s32 v1, v4;
	_ =	sdelay $0x1  }
0x3b: {  	v3 =	vadd.s32 v1, v3;
	_ =	sdelay $0x1  }
0x3c: {  	s8 =	simm.s32 $0x2800  }
0x3d: {  	[tilespmem:s8], [sflag:$0x1] =	stream.indirect_vreg.gather [hbm4b:s4+s2], $0x80, v4, vm0, $0xb8;
	[tilespmem:$0x18800] =	vst v63  }
0x3e: {  	s10 =	simm.s32 $0x3000  }
0x3f: {  	[tilespmem:s10], [sflag:$0x1] =	stream.indirect_vreg.gather [hbm4b:s4+s2], $0x80, v3, vm0, $0xb8;
	[tilespmem:$0x18800] =	vst v63  }
0x40: {  	v3 =	vld [tilespmem:$0x30];
	_ =	sdelay $0x4  }
0x41: {  	v59 =	vshll.u32 v3, $0x1  }
0x42: {  	v3 =	vand.u32 $0x7, v3;
	v4 =	vand.u32 $0xFFFFFFF0, v59  }
0x43: {  	v3 =	vor.u32 v3, v4  }
0x44: {  	v4 =	vperm.xlane v3, v0;
	_ =	sdelay $0x1  }
0x45: {  	v3 =	vperm.xlane v3, v2;
	v4 =	vadd.s32 v1, v4;
	_ =	sdelay $0x1  }
0x46: {  	v3 =	vadd.s32 v1, v3;
	_ =	sdelay $0x1  }
0x47: {  	s29 =	simm.s32 $0x3800  }
0x48: {  	[tilespmem:s29], [sflag:$0x1] =	stream.indirect_vreg.gather [hbm4b:s4+s2], $0x80, v4, vm0, $0xb8;
	[tilespmem:$0x18800] =	vst v63  }
0x49: {  	s8 =	simm.s32 $0x4000  }
0x4a: {  	[tilespmem:s8], [sflag:$0x1] =	stream.indirect_vreg.gather [hbm4b:s4+s2], $0x80, v3, vm0, $0xb8;
	[tilespmem:$0x18800] =	vst v63  }
0x4b: {  	v3 =	vld [tilespmem:$0x80];
	_ =	sdelay $0x4  }
0x4c: {  	v60 =	vshll.u32 v3, $0x1  }
0x4d: {  	v3 =	vand.u32 $0x7, v3;
	v4 =	vand.u32 $0xFFFFFFF0, v60  }
0x4e: {  	v3 =	vor.u32 v3, v4  }
0x4f: {  	v4 =	vperm.xlane v3, v0;
	_ =	sdelay $0x1  }
0x50: {  	v3 =	vperm.xlane v3, v2;
	v4 =	vadd.s32 v1, v4;
	_ =	sdelay $0x1  }
0x51: {  	v3 =	vadd.s32 v1, v3;
	_ =	sdelay $0x2  }
0x52: {  	[tilespmem:s23], [sflag:$0x2] =	stream.indirect_vreg.gather [hbm4b:s4+s2], $0x80, v4, vm0, $0xb8;
	[tilespmem:$0x18800] =	vst v63  }
0x53: {  	s10 =	simm.s32 $0x5000  }
0x54: {  	[tilespmem:s10], [sflag:$0x2] =	stream.indirect_vreg.gather [hbm4b:s4+s2], $0x80, v3, vm0, $0xb8;
	[tilespmem:$0x18800] =	vst v63  }
0x55: {  	v3 =	vld [tilespmem:$0x90];
	_ =	sdelay $0x4  }
0x56: {  	v61 =	vshll.u32 v3, $0x1  }
0x57: {  	v3 =	vand.u32 $0x7, v3;
	v4 =	vand.u32 $0xFFFFFFF0, v61  }
0x58: {  	v3 =	vor.u32 v3, v4  }
0x59: {  	v4 =	vperm.xlane v3, v0;
	_ =	sdelay $0x1  }
0x5a: {  	v3 =	vperm.xlane v3, v2;
	v4 =	vadd.s32 v1, v4;
	_ =	sdelay $0x1  }
0x5b: {  	v3 =	vadd.s32 v1, v3;
	_ =	sdelay $0x1  }
0x5c: {  	s29 =	simm.s32 $0x5800  }
0x5d: {  	[tilespmem:s29], [sflag:$0x2] =	stream.indirect_vreg.gather [hbm4b:s4+s2], $0x80, v4, vm0, $0xb8;
	[tilespmem:$0x18800] =	vst v63  }
0x5e: {  	s8 =	simm.s32 $0x6000  }
0x5f: {  	[tilespmem:s8], [sflag:$0x2] =	stream.indirect_vreg.gather [hbm4b:s4+s2], $0x80, v3, vm0, $0xb8;
	[tilespmem:$0x18800] =	vst v63  }
0x60: {  	v3 =	vld [tilespmem:$0xA0];
	_ =	sdelay $0x4  }
0x61: {  	v62 =	vshll.u32 v3, $0x1  }
0x62: {  	v3 =	vand.u32 $0x7, v3;
	v4 =	vand.u32 $0xFFFFFFF0, v62  }
0x63: {  	v3 =	vor.u32 v3, v4  }
0x64: {  	v4 =	vperm.xlane v3, v0;
	_ =	sdelay $0x1  }
0x65: {  	v3 =	vperm.xlane v3, v2;
	v4 =	vadd.s32 v1, v4;
	_ =	sdelay $0x1  }
0x66: {  	v3 =	vadd.s32 v1, v3;
	_ =	sdelay $0x1  }
0x67: {  	s10 =	simm.s32 $0x6800  }
0x68: {  	[tilespmem:s10], [sflag:$0x2] =	stream.indirect_vreg.gather [hbm4b:s4+s2], $0x80, v4, vm0, $0xb8;
	[tilespmem:$0x18800] =	vst v63  }
0x69: {  	s29 =	simm.s32 $0x7000  }
0x6a: {  	[tilespmem:s29], [sflag:$0x2] =	stream.indirect_vreg.gather [hbm4b:s4+s2], $0x80, v3, vm0, $0xb8;
	[tilespmem:$0x18800] =	vst v63  }
0x6b: {  	v3 =	vld [tilespmem:$0xB0];
	_ =	sdelay $0x4  }
0x6c: {  	v63 =	vshll.u32 v3, $0x1  }
0x6d: {  	v3 =	vand.u32 $0x7, v3;
	v4 =	vand.u32 $0xFFFFFFF0, v63  }
0x6e: {  	v3 =	vor.u32 v3, v4  }
0x6f: {  	v4 =	vperm.xlane v3, v0;
	_ =	sdelay $0x1  }
0x70: {  	v3 =	vperm.xlane v3, v2;
	v4 =	vadd.s32 v1, v4;
	_ =	sdelay $0x1  }
0x71: {  	v3 =	vadd.s32 v1, v3;
	_ =	sdelay $0x1  }
0x72: {  	s8 =	simm.s32 $0x7800  }
0x73: {  	[tilespmem:s8], [sflag:$0x2] =	stream.indirect_vreg.gather [hbm4b:s4+s2], $0x80, v4, vm0, $0xb8;
	[tilespmem:$0x18800] =	vst v63  }
0x74: {  	s10 =	simm.s32 $0x8000  }
0x75: {  	[tilespmem:s10], [sflag:$0x2] =	stream.indirect_vreg.gather [hbm4b:s4+s2], $0x80, v3, vm0, $0xb8;
	[tilespmem:$0x18800] =	vst v63  }
0x76: {  	v3 =	vld [tilespmem:$0x100];
	_ =	sdelay $0x4  }
0x77: {  	v8 =	vshll.u32 v3, $0x1  }
0x78: {  	v3 =	vand.u32 $0x7, v3;
	v4 =	vand.u32 $0xFFFFFFF0, v8  }
0x79: {  	v3 =	vor.u32 v3, v4  }
0x7a: {  	v4 =	vperm.xlane v3, v0;
	_ =	sdelay $0x1  }
0x7b: {  	v3 =	vperm.xlane v3, v2;
	v4 =	vadd.s32 v1, v4;
	_ =	sdelay $0x1  }
0x7c: {  	v3 =	vadd.s32 v1, v3;
	_ =	sdelay $0x2  }
0x7d: {  	[tilespmem:s6], [sflag:$0x3] =	stream.indirect_vreg.gather [hbm4b:s4+s2], $0x80, v4, vm0, $0xb8;
	[tilespmem:$0x18800] =	vst v63  }
0x7e: {  	s29 =	simm.s32 $0x9000  }
0x7f: {  	[tilespmem:s29], [sflag:$0x3] =	stream.indirect_vreg.gather [hbm4b:s4+s2], $0x80, v3, vm0, $0xb8;
	[tilespmem:$0x18800] =	vst v63  }
0x80: {  	v3 =	vld [tilespmem:$0x110];
	_ =	sdelay $0x4  }
0x81: {  	v9 =	vshll.u32 v3, $0x1  }
0x82: {  	v3 =	vand.u32 $0x7, v3;
	v4 =	vand.u32 $0xFFFFFFF0, v9  }
0x83: {  	v3 =	vor.u32 v3, v4  }
0x84: {  	v4 =	vperm.xlane v3, v0;
	_ =	sdelay $0x1  }
0x85: {  	v3 =	vperm.xlane v3, v2;
	v4 =	vadd.s32 v1, v4;
	_ =	sdelay $0x1  }
0x86: {  	v3 =	vadd.s32 v1, v3;
	_ =	sdelay $0x1  }
0x87: {  	s8 =	simm.s32 $0x9800  }
0x88: {  	[tilespmem:s8], [sflag:$0x3] =	stream.indirect_vreg.gather [hbm4b:s4+s2], $0x80, v4, vm0, $0xb8;
	[tilespmem:$0x18800] =	vst v63  }
0x89: {  	s10 =	simm.s32 $0xA000  }
0x8a: {  	[tilespmem:s10], [sflag:$0x3] =	stream.indirect_vreg.gather [hbm4b:s4+s2], $0x80, v3, vm0, $0xb8;
	[tilespmem:$0x18800] =	vst v63  }
0x8b: {  	v3 =	vld [tilespmem:$0x120];
	_ =	sdelay $0x4  }
0x8c: {  	v10 =	vshll.u32 v3, $0x1  }
0x8d: {  	v3 =	vand.u32 $0x7, v3;
	v4 =	vand.u32 $0xFFFFFFF0, v10  }
0x8e: {  	v3 =	vor.u32 v3, v4  }
0x8f: {  	v4 =	vperm.xlane v3, v0;
	_ =	sdelay $0x1  }
0x90: {  	v3 =	vperm.xlane v3, v2;
	v4 =	vadd.s32 v1, v4;
	_ =	sdelay $0x1  }
0x91: {  	v3 =	vadd.s32 v1, v3;
	_ =	sdelay $0x1  }
0x92: {  	s29 =	simm.s32 $0xA800  }
0x93: {  	[tilespmem:s29], [sflag:$0x3] =	stream.indirect_vreg.gather [hbm4b:s4+s2], $0x80, v4, vm0, $0xb8;
	[tilespmem:$0x18800] =	vst v63  }
0x94: {  	s8 =	simm.s32 $0xB000  }
0x95: {  	[tilespmem:s8], [sflag:$0x3] =	stream.indirect_vreg.gather [hbm4b:s4+s2], $0x80, v3, vm0, $0xb8;
	[tilespmem:$0x18800] =	vst v63  }
0x96: {  	v3 =	vld [tilespmem:$0x130];
	_ =	sdelay $0x4  }
0x97: {  	v11 =	vshll.u32 v3, $0x1  }
0x98: {  	v3 =	vand.u32 $0x7, v3;
	v4 =	vand.u32 $0xFFFFFFF0, v11  }
0x99: {  	v3 =	vor.u32 v3, v4  }
0x9a: {  	v4 =	vperm.xlane v3, v0;
	_ =	sdelay $0x1  }
0x9b: {  	v3 =	vperm.xlane v3, v2;
	v4 =	vadd.s32 v1, v4;
	_ =	sdelay $0x1  }
0x9c: {  	v3 =	vadd.s32 v1, v3;
	_ =	sdelay $0x1  }
0x9d: {  	s10 =	simm.s32 $0xB800  }
0x9e: {  	[tilespmem:s10], [sflag:$0x3] =	stream.indirect_vreg.gather [hbm4b:s4+s2], $0x80, v4, vm0, $0xb8;
	[tilespmem:$0x18800] =	vst v63  }
0x9f: {  	s29 =	simm.s32 $0xC000  }
0xa0: {  	[tilespmem:s29], [sflag:$0x3] =	stream.indirect_vreg.gather [hbm4b:s4+s2], $0x80, v3, vm0, $0xb8;
	[tilespmem:$0x18800] =	vst v63  }
0xa1: {  	_ =	swait.ge [sflag:s22], $0x4000  }
0xa2: {  	[sflag:s22] =	ssyncset.done $0x0  }
0xa3: {  	s0 =	rddreg [dreg:$0x13];
	[sflag:s22] =	ssyncadd.s32 $0xFFFFC000  }
0xa4: {  	[hbm4b:s0+s2] =	stream.linear.scatter [tilespmem:s15], [sflag:$0x7], $0x4000, $0x38;
	[tilespmem:$0x18800] =	vst v63  }
0xa5: {  	v3 =	vld [tilespmem:$0x180];
	_ =	sdelay $0x4  }
0xa6: {  	v12 =	vshll.u32 v3, $0x1  }
0xa7: {  	v3 =	vand.u32 $0x7, v3;
	v4 =	vand.u32 $0xFFFFFFF0, v12  }
0xa8: {  	v3 =	vor.u32 v3, v4  }
0xa9: {  	v4 =	vperm.xlane v3, v0;
	_ =	sdelay $0x1  }
0xaa: {  	v3 =	vperm.xlane v3, v2;
	v4 =	vadd.s32 v1, v4;
	_ =	sdelay $0x1  }
0xab: {  	v3 =	vadd.s32 v1, v3;
	_ =	sdelay $0x2  }
0xac: {  	[tilespmem:s20], [sflag:$0x4] =	stream.indirect_vreg.gather [hbm4b:s4+s2], $0x80, v4, vm0, $0xb8;
	[tilespmem:$0x18800] =	vst v63  }
0xad: {  	s8 =	simm.s32 $0xD000  }
0xae: {  	[tilespmem:s8], [sflag:$0x4] =	stream.indirect_vreg.gather [hbm4b:s4+s2], $0x80, v3, vm0, $0xb8;
	[tilespmem:$0x18800] =	vst v63  }
0xaf: {  	v3 =	vld [tilespmem:$0x190];
	_ =	sdelay $0x4  }
0xb0: {  	v13 =	vshll.u32 v3, $0x1  }
0xb1: {  	v3 =	vand.u32 $0x7, v3;
	v4 =	vand.u32 $0xFFFFFFF0, v13  }
0xb2: {  	v3 =	vor.u32 v3, v4  }
0xb3: {  	v4 =	vperm.xlane v3, v0;
	_ =	sdelay $0x1  }
0xb4: {  	v3 =	vperm.xlane v3, v2;
	v4 =	vadd.s32 v1, v4;
	_ =	sdelay $0x1  }
0xb5: {  	v3 =	vadd.s32 v1, v3;
	_ =	sdelay $0x1  }
0xb6: {  	s10 =	simm.s32 $0xD800  }
0xb7: {  	[tilespmem:s10], [sflag:$0x4] =	stream.indirect_vreg.gather [hbm4b:s4+s2], $0x80, v4, vm0, $0xb8;
	[tilespmem:$0x18800] =	vst v63  }
0xb8: {  	s29 =	simm.s32 $0xE000  }
0xb9: {  	[tilespmem:s29], [sflag:$0x4] =	stream.indirect_vreg.gather [hbm4b:s4+s2], $0x80, v3, vm0, $0xb8;
	[tilespmem:$0x18800] =	vst v63  }
0xba: {  	v3 =	vld [tilespmem:$0x1A0];
	_ =	sdelay $0x4  }
0xbb: {  	v14 =	vshll.u32 v3, $0x1  }
0xbc: {  	v3 =	vand.u32 $0x7, v3;
	v4 =	vand.u32 $0xFFFFFFF0, v14  }
0xbd: {  	v3 =	vor.u32 v3, v4  }
0xbe: {  	v4 =	vperm.xlane v3, v0;
	_ =	sdelay $0x1  }
0xbf: {  	v3 =	vperm.xlane v3, v2;
	v4 =	vadd.s32 v1, v4;
	_ =	sdelay $0x1  }
0xc0: {  	v3 =	vadd.s32 v1, v3;
	_ =	sdelay $0x1  }
0xc1: {  	s8 =	simm.s32 $0xE800  }
0xc2: {  	[tilespmem:s8], [sflag:$0x4] =	stream.indirect_vreg.gather [hbm4b:s4+s2], $0x80, v4, vm0, $0xb8;
	[tilespmem:$0x18800] =	vst v63  }
0xc3: {  	s10 =	simm.s32 $0xF000  }
0xc4: {  	[tilespmem:s10], [sflag:$0x4] =	stream.indirect_vreg.gather [hbm4b:s4+s2], $0x80, v3, vm0, $0xb8;
	[tilespmem:$0x18800] =	vst v63  }
0xc5: {  	v3 =	vld [tilespmem:$0x1B0];
	_ =	sdelay $0x4  }
0xc6: {  	v15 =	vshll.u32 v3, $0x1  }
0xc7: {  	v3 =	vand.u32 $0x7, v3;
	v4 =	vand.u32 $0xFFFFFFF0, v15  }
0xc8: {  	v3 =	vor.u32 v3, v4  }
0xc9: {  	v4 =	vperm.xlane v3, v0;
	_ =	sdelay $0x1  }
0xca: {  	v3 =	vperm.xlane v3, v2;
	v4 =	vadd.s32 v1, v4;
	_ =	sdelay $0x1  }
0xcb: {  	v3 =	vadd.s32 v1, v3;
	_ =	sdelay $0x1  }
0xcc: {  	s29 =	simm.s32 $0xF800  }
0xcd: {  	[tilespmem:s29], [sflag:$0x4] =	stream.indirect_vreg.gather [hbm4b:s4+s2], $0x80, v4, vm0, $0xb8;
	[tilespmem:$0x18800] =	vst v63  }
0xce: {  	s8 =	simm.s32 $0x10000  }
0xcf: {  	[tilespmem:s8], [sflag:$0x4] =	stream.indirect_vreg.gather [hbm4b:s4+s2], $0x80, v3, vm0, $0xb8;
	[tilespmem:$0x18800] =	vst v63  }
0xd0: {  	_ =	swait.ge [sflag:s13], $0x4000  }
0xd1: {  	[sflag:s13] =	ssyncset.done $0x0  }
0xd2: {  	s10 =	rddreg [dreg:$0x4];
	[sflag:s13] =	ssyncadd.s32 $0xFFFFC000  }
0xd3: {  	[hbm4b:s10+s2] =	stream.linear.scatter [tilespmem:s23], [sflag:$0x8], $0x4000, $0x38;
	[tilespmem:$0x18800] =	vst v63  }
0xd4: {  	v3 =	vld [tilespmem:$0x200];
	_ =	sdelay $0x4  }
0xd5: {  	v16 =	vshll.u32 v3, $0x1  }
0xd6: {  	v3 =	vand.u32 $0x7, v3;
	v4 =	vand.u32 $0xFFFFFFF0, v16  }
0xd7: {  	v3 =	vor.u32 v3, v4  }
0xd8: {  	v4 =	vperm.xlane v3, v0;
	_ =	sdelay $0x1  }
0xd9: {  	v3 =	vperm.xlane v3, v2;
	v4 =	vadd.s32 v1, v4;
	_ =	sdelay $0x1  }
0xda: {  	v3 =	vadd.s32 v1, v3;
	_ =	sdelay $0x2  }
0xdb: {  	[tilespmem:s7], [sflag:$0x5] =	stream.indirect_vreg.gather [hbm4b:s4+s2], $0x80, v4, vm0, $0xb8;
	[tilespmem:$0x18800] =	vst v63  }
0xdc: {  	_ = 	snop  }
0xdd: {  	[tilespmem:s11], [sflag:$0x5] =	stream.indirect_vreg.gather [hbm4b:s4+s2], $0x80, v3, vm0, $0xb8;
	[tilespmem:$0x18800] =	vst v63  }
0xde: {  	v3 =	vld [tilespmem:$0x210];
	_ =	sdelay $0x4  }
0xdf: {  	v17 =	vshll.u32 v3, $0x1  }
0xe0: {  	v3 =	vand.u32 $0x7, v3;
	v4 =	vand.u32 $0xFFFFFFF0, v17  }
0xe1: {  	v3 =	vor.u32 v3, v4  }
0xe2: {  	v4 =	vperm.xlane v3, v0;
	_ =	sdelay $0x1  }
0xe3: {  	v3 =	vperm.xlane v3, v2;
	v4 =	vadd.s32 v1, v4;
	_ =	sdelay $0x1  }
0xe4: {  	v3 =	vadd.s32 v1, v3;
	_ =	sdelay $0x2  }
0xe5: {  	[tilespmem:s12], [sflag:$0x5] =	stream.indirect_vreg.gather [hbm4b:s4+s2], $0x80, v4, vm0, $0xb8;
	[tilespmem:$0x18800] =	vst v63  }
0xe6: {  	_ = 	snop  }
0xe7: {  	[tilespmem:s14], [sflag:$0x5] =	stream.indirect_vreg.gather [hbm4b:s4+s2], $0x80, v3, vm0, $0xb8;
	[tilespmem:$0x18800] =	vst v63  }
0xe8: {  	v3 =	vld [tilespmem:$0x220];
	_ =	sdelay $0x4  }
0xe9: {  	v18 =	vshll.u32 v3, $0x1  }
0xea: {  	v3 =	vand.u32 $0x7, v3;
	v4 =	vand.u32 $0xFFFFFFF0, v18  }
0xeb: {  	v3 =	vor.u32 v3, v4  }
0xec: {  	v4 =	vperm.xlane v3, v0;
	_ =	sdelay $0x1  }
0xed: {  	v3 =	vperm.xlane v3, v2;
	v4 =	vadd.s32 v1, v4;
	_ =	sdelay $0x1  }
0xee: {  	v3 =	vadd.s32 v1, v3;
	_ =	sdelay $0x2  }
0xef: {  	[tilespmem:s17], [sflag:$0x5] =	stream.indirect_vreg.gather [hbm4b:s4+s2], $0x80, v4, vm0, $0xb8;
	[tilespmem:$0x18800] =	vst v63  }
0xf0: {  	s10 =	simm.s32 $0x13000  }
0xf1: {  	[tilespmem:s10], [sflag:$0x5] =	stream.indirect_vreg.gather [hbm4b:s4+s2], $0x80, v3, vm0, $0xb8;
	[tilespmem:$0x18800] =	vst v63  }
0xf2: {  	v3 =	vld [tilespmem:$0x230];
	_ =	sdelay $0x4  }
0xf3: {  	v19 =	vshll.u32 v3, $0x1  }
0xf4: {  	v3 =	vand.u32 $0x7, v3;
	v4 =	vand.u32 $0xFFFFFFF0, v19  }
0xf5: {  	v3 =	vor.u32 v3, v4  }
0xf6: {  	v4 =	vperm.xlane v3, v0;
	_ =	sdelay $0x1  }
0xf7: {  	v3 =	vperm.xlane v3, v2;
	v4 =	vadd.s32 v1, v4;
	_ =	sdelay $0x1  }
0xf8: {  	v3 =	vadd.s32 v1, v3;
	_ =	sdelay $0x2  }
0xf9: {  	[tilespmem:s26], [sflag:$0x5] =	stream.indirect_vreg.gather [hbm4b:s4+s2], $0x80, v4, vm0, $0xb8;
	[tilespmem:$0x18800] =	vst v63  }
0xfa: {  	s8 =	simm.s32 $0x14000  }
0xfb: {  	[tilespmem:s8], [sflag:$0x5] =	stream.indirect_vreg.gather [hbm4b:s4+s2], $0x80, v3, vm0, $0xb8;
	[tilespmem:$0x18800] =	vst v63  }
0xfc: {  	_ =	swait.ge [sflag:s16], $0x4000  }
0xfd: {  	[sflag:s16] =	ssyncset.done $0x0  }
0xfe: {  	s0 =	rddreg [dreg:$0x5];
	[sflag:s16] =	ssyncadd.s32 $0xFFFFC000  }
0xff: {  	[hbm4b:s0+s2] =	stream.linear.scatter [tilespmem:s6], [sflag:$0x9], $0x4000, $0x38;
	[tilespmem:$0x18800] =	vst v63  }
0x100: {  	v3 =	vld [tilespmem:$0x280];
	_ =	sdelay $0x4  }
0x101: {  	v20 =	vshll.u32 v3, $0x1  }
0x102: {  	v3 =	vand.u32 $0x7, v3;
	v4 =	vand.u32 $0xFFFFFFF0, v20  }
0x103: {  	v3 =	vor.u32 v3, v4  }
0x104: {  	v4 =	vperm.xlane v3, v0;
	_ =	sdelay $0x1  }
0x105: {  	v3 =	vperm.xlane v3, v2;
	v4 =	vadd.s32 v1, v4;
	_ =	sdelay $0x1  }
0x106: {  	v3 =	vadd.s32 v1, v3;
	_ =	sdelay $0x2  }
0x107: {  	[tilespmem:s9], [sflag:$0x6] =	stream.indirect_vreg.gather [hbm4b:s4+s2], $0x80, v4, vm0, $0xb8;
	[tilespmem:$0x18800] =	vst v63  }
0x108: {  	s29 =	simm.s32 $0x15000  }
0x109: {  	[tilespmem:s29], [sflag:$0x6] =	stream.indirect_vreg.gather [hbm4b:s4+s2], $0x80, v3, vm0, $0xb8;
	[tilespmem:$0x18800] =	vst v63  }
0x10a: {  	v3 =	vld [tilespmem:$0x290];
	_ =	sdelay $0x4  }
0x10b: {  	v21 =	vshll.u32 v3, $0x1  }
0x10c: {  	v3 =	vand.u32 $0x7, v3;
	v4 =	vand.u32 $0xFFFFFFF0, v21  }
0x10d: {  	v3 =	vor.u32 v3, v4  }
0x10e: {  	v4 =	vperm.xlane v3, v0;
	_ =	sdelay $0x1  }
0x10f: {  	v3 =	vperm.xlane v3, v2;
	v4 =	vadd.s32 v1, v4;
	_ =	sdelay $0x1  }
0x110: {  	v3 =	vadd.s32 v1, v3;
	_ =	sdelay $0x2  }
0x111: {  	[tilespmem:s30], [sflag:$0x6] =	stream.indirect_vreg.gather [hbm4b:s4+s2], $0x80, v4, vm0, $0xb8;
	[tilespmem:$0x18800] =	vst v63  }
0x112: {  	_ = 	snop  }
0x113: {  	[tilespmem:s31], [sflag:$0x6] =	stream.indirect_vreg.gather [hbm4b:s4+s2], $0x80, v3, vm0, $0xb8;
	[tilespmem:$0x18800] =	vst v63  }
0x114: {  	v3 =	vld [tilespmem:$0x2A0];
	_ =	sdelay $0x4  }
0x115: {  	v22 =	vshll.u32 v3, $0x1  }
0x116: {  	v3 =	vand.u32 $0x7, v3;
	v4 =	vand.u32 $0xFFFFFFF0, v22  }
0x117: {  	v3 =	vor.u32 v3, v4  }
0x118: {  	v4 =	vperm.xlane v3, v0;
	_ =	sdelay $0x1  }
0x119: {  	v3 =	vperm.xlane v3, v2;
	v4 =	vadd.s32 v1, v4;
	_ =	sdelay $0x1  }
0x11a: {  	v3 =	vadd.s32 v1, v3;
	_ =	sdelay $0x1  }
0x11b: {  	s29 =	simm.s32 $0x16800  }
0x11c: {  	[tilespmem:s29], [sflag:$0x6] =	stream.indirect_vreg.gather [hbm4b:s4+s2], $0x80, v4, vm0, $0xb8;
	[tilespmem:$0x18800] =	vst v63  }
0x11d: {  	s29 =	simm.s32 $0x17000  }
0x11e: {  	[tilespmem:s29], [sflag:$0x6] =	stream.indirect_vreg.gather [hbm4b:s4+s2], $0x80, v3, vm0, $0xb8;
	[tilespmem:$0x18800] =	vst v63  }
0x11f: {  	v3 =	vld [tilespmem:$0x2B0];
	_ =	sdelay $0x4  }
0x120: {  	v23 =	vshll.u32 v3, $0x1  }
0x121: {  	v3 =	vand.u32 $0x7, v3;
	v4 =	vand.u32 $0xFFFFFFF0, v23  }
0x122: {  	v3 =	vor.u32 v3, v4  }
0x123: {  	v4 =	vperm.xlane v3, v0;
	_ =	sdelay $0x1  }
0x124: {  	v3 =	vperm.xlane v3, v2;
	v4 =	vadd.s32 v1, v4;
	_ =	sdelay $0x1  }
0x125: {  	v3 =	vadd.s32 v1, v3;
	_ =	sdelay $0x2  }
0x126: {  	[tilespmem:s28], [sflag:$0x6] =	stream.indirect_vreg.gather [hbm4b:s4+s2], $0x80, v4, vm0, $0xb8;
	[tilespmem:$0x18800] =	vst v63  }
0x127: {  	s29 =	simm.s32 $0x18000  }
0x128: {  	[tilespmem:s29], [sflag:$0x6] =	stream.indirect_vreg.gather [hbm4b:s4+s2], $0x80, v3, vm0, $0xb8;
	[tilespmem:$0x18800] =	vst v63  }
0x129: {  	_ =	swait.ge [sflag:s18], $0x4000  }
0x12a: {  	[sflag:s18] =	ssyncset.done $0x0  }
0x12b: {  	s0 =	rddreg [dreg:$0x6];
	[sflag:s18] =	ssyncadd.s32 $0xFFFFC000  }
0x12c: {  	[hbm4b:s0+s2] =	stream.linear.scatter [tilespmem:s20], [sflag:$0xA], $0x4000, $0x38;
	[tilespmem:$0x18800] =	vst v63  }
0x12d: {  	_ =	swait.ge [sflag:s19], $0x4000  }
0x12e: {  	[sflag:s19] =	ssyncset.done $0x0  }
0x12f: {  	[sflag:s19] =	ssyncadd.s32 $0xFFFFC000  }
0x130: {  	v3 =	vld [tilespmem:$0x300];
	_ =	sdelay $0x4  }
0x131: {  	v24 =	vshll.u32 v3, $0x1  }
0x132: {  	v3 =	vand.u32 $0x7, v3;
	v4 =	vand.u32 $0xFFFFFFF0, v24  }
0x133: {  	v3 =	vor.u32 v3, v4  }
0x134: {  	v4 =	vperm.xlane v3, v0;
	_ =	sdelay $0x1  }
0x135: {  	v3 =	vperm.xlane v3, v2;
	v4 =	vadd.s32 v1, v4;
	_ =	sdelay $0x1  }
0x136: {  	v3 =	vadd.s32 v1, v3;
	_ =	sdelay $0x2  }
0x137: {  	[tilespmem:s15], [sflag:$0x1] =	stream.indirect_vreg.gather [hbm4b:s4+s2], $0x80, v4, vm0, $0xb8;
	[tilespmem:$0x18800] =	vst v63  }
0x138: {  	s1 =	simm.s32 $0x1000  }
0x139: {  	[tilespmem:s1], [sflag:$0x1] =	stream.indirect_vreg.gather [hbm4b:s4+s2], $0x80, v3, vm0, $0xb8;
	[tilespmem:$0x18800] =	vst v63  }
0x13a: {  	v3 =	vld [tilespmem:$0x310];
	_ =	sdelay $0x4  }
0x13b: {  	v25 =	vshll.u32 v3, $0x1  }
0x13c: {  	v3 =	vand.u32 $0x7, v3;
	v4 =	vand.u32 $0xFFFFFFF0, v25  }
0x13d: {  	v3 =	vor.u32 v3, v4  }
0x13e: {  	v4 =	vperm.xlane v3, v0;
	_ =	sdelay $0x1  }
0x13f: {  	v3 =	vperm.xlane v3, v2;
	v4 =	vadd.s32 v1, v4;
	_ =	sdelay $0x1  }
0x140: {  	v3 =	vadd.s32 v1, v3;
	_ =	sdelay $0x1  }
0x141: {  	s29 =	simm.s32 $0x1800  }
0x142: {  	[tilespmem:s29], [sflag:$0x1] =	stream.indirect_vreg.gather [hbm4b:s4+s2], $0x80, v4, vm0, $0xb8;
	[tilespmem:$0x18800] =	vst v63  }
0x143: {  	s3 =	simm.s32 $0x2000  }
0x144: {  	[tilespmem:s3], [sflag:$0x1] =	stream.indirect_vreg.gather [hbm4b:s4+s2], $0x80, v3, vm0, $0xb8;
	[tilespmem:$0x18800] =	vst v63  }
0x145: {  	v3 =	vld [tilespmem:$0x320];
	_ =	sdelay $0x4  }
0x146: {  	v26 =	vshll.u32 v3, $0x1  }
0x147: {  	v3 =	vand.u32 $0x7, v3;
	v4 =	vand.u32 $0xFFFFFFF0, v26  }
0x148: {  	v3 =	vor.u32 v3, v4  }
0x149: {  	v4 =	vperm.xlane v3, v0;
	_ =	sdelay $0x1  }
0x14a: {  	v3 =	vperm.xlane v3, v2;
	v4 =	vadd.s32 v1, v4;
	_ =	sdelay $0x1  }
0x14b: {  	v3 =	vadd.s32 v1, v3;
	_ =	sdelay $0x1  }
0x14c: {  	s1 =	simm.s32 $0x2800  }
0x14d: {  	[tilespmem:s1], [sflag:$0x1] =	stream.indirect_vreg.gather [hbm4b:s4+s2], $0x80, v4, vm0, $0xb8;
	[tilespmem:$0x18800] =	vst v63  }
0x14e: {  	s3 =	simm.s32 $0x3000  }
0x14f: {  	[tilespmem:s3], [sflag:$0x1] =	stream.indirect_vreg.gather [hbm4b:s4+s2], $0x80, v3, vm0, $0xb8;
	[tilespmem:$0x18800] =	vst v63  }
0x150: {  	v3 =	vld [tilespmem:$0x330];
	_ =	sdelay $0x4  }
0x151: {  	v27 =	vshll.u32 v3, $0x1  }
0x152: {  	v3 =	vand.u32 $0x7, v3;
	v4 =	vand.u32 $0xFFFFFFF0, v27  }
0x153: {  	v3 =	vor.u32 v3, v4  }
0x154: {  	v4 =	vperm.xlane v3, v0;
	_ =	sdelay $0x1  }
0x155: {  	v3 =	vperm.xlane v3, v2;
	v4 =	vadd.s32 v1, v4;
	_ =	sdelay $0x1  }
0x156: {  	v3 =	vadd.s32 v1, v3;
	_ =	sdelay $0x1  }
0x157: {  	s29 =	simm.s32 $0x3800  }
0x158: {  	[tilespmem:s29], [sflag:$0x1] =	stream.indirect_vreg.gather [hbm4b:s4+s2], $0x80, v4, vm0, $0xb8;
	[tilespmem:$0x18800] =	vst v63  }
0x159: {  	s0 =	simm.s32 $0x5;
	s1 =	simm.s32 $0x4000  }
0x15a: {  	[tilespmem:s1], [sflag:$0x1] =	stream.indirect_vreg.gather [hbm4b:s4+s2], $0x80, v3, vm0, $0xb8;
	[tilespmem:$0x18800] =	vst v63  }
0x15b: {  	_ =	swait.ge [sflag:s0], $0x4000  }
0x15c: {  	[sflag:s0] =	ssyncset.done $0x0  }
0x15d: {  	s3 =	rddreg [dreg:$0x7];
	[sflag:s0] =	ssyncadd.s32 $0xFFFFC000  }
0x15e: {  	[hbm4b:s3+s2] =	stream.linear.scatter [tilespmem:s7], [sflag:$0xB], $0x4000, $0x38;
	[tilespmem:$0x18800] =	vst v63  }
0x15f: {  	_ =	swait.ge [sflag:s21], $0x4000  }
0x160: {  	[sflag:s21] =	ssyncset.done $0x0  }
0x161: {  	[sflag:s21] =	ssyncadd.s32 $0xFFFFC000  }
0x162: {  	v3 =	vld [tilespmem:$0x380];
	_ =	sdelay $0x4  }
0x163: {  	v28 =	vshll.u32 v3, $0x1  }
0x164: {  	v3 =	vand.u32 $0x7, v3;
	v4 =	vand.u32 $0xFFFFFFF0, v28  }
0x165: {  	v3 =	vor.u32 v3, v4  }
0x166: {  	v4 =	vperm.xlane v3, v0;
	_ =	sdelay $0x1  }
0x167: {  	v3 =	vperm.xlane v3, v2;
	v4 =	vadd.s32 v1, v4;
	_ =	sdelay $0x1  }
0x168: {  	v3 =	vadd.s32 v1, v3;
	_ =	sdelay $0x2  }
0x169: {  	[tilespmem:s23], [sflag:$0x2] =	stream.indirect_vreg.gather [hbm4b:s4+s2], $0x80, v4, vm0, $0xb8;
	[tilespmem:$0x18800] =	vst v63  }
0x16a: {  	s29 =	simm.s32 $0x5000  }
0x16b: {  	[tilespmem:s29], [sflag:$0x2] =	stream.indirect_vreg.gather [hbm4b:s4+s2], $0x80, v3, vm0, $0xb8;
	[tilespmem:$0x18800] =	vst v63  }
0x16c: {  	v3 =	vld [tilespmem:$0x390];
	_ =	sdelay $0x4  }
0x16d: {  	v29 =	vshll.u32 v3, $0x1  }
0x16e: {  	v3 =	vand.u32 $0x7, v3;
	v4 =	vand.u32 $0xFFFFFFF0, v29  }
0x16f: {  	v3 =	vor.u32 v3, v4  }
0x170: {  	v4 =	vperm.xlane v3, v0;
	_ =	sdelay $0x1  }
0x171: {  	v3 =	vperm.xlane v3, v2;
	v4 =	vadd.s32 v1, v4;
	_ =	sdelay $0x1  }
0x172: {  	v3 =	vadd.s32 v1, v3;
	_ =	sdelay $0x1  }
0x173: {  	s3 =	simm.s32 $0x5800  }
0x174: {  	[tilespmem:s3], [sflag:$0x2] =	stream.indirect_vreg.gather [hbm4b:s4+s2], $0x80, v4, vm0, $0xb8;
	[tilespmem:$0x18800] =	vst v63  }
0x175: {  	s29 =	simm.s32 $0x6000  }
0x176: {  	[tilespmem:s29], [sflag:$0x2] =	stream.indirect_vreg.gather [hbm4b:s4+s2], $0x80, v3, vm0, $0xb8;
	[tilespmem:$0x18800] =	vst v63  }
0x177: {  	v3 =	vld [tilespmem:$0x3A0];
	_ =	sdelay $0x4  }
0x178: {  	v30 =	vshll.u32 v3, $0x1  }
0x179: {  	v3 =	vand.u32 $0x7, v3;
	v4 =	vand.u32 $0xFFFFFFF0, v30  }
0x17a: {  	v3 =	vor.u32 v3, v4  }
0x17b: {  	v4 =	vperm.xlane v3, v0;
	_ =	sdelay $0x1  }
0x17c: {  	v3 =	vperm.xlane v3, v2;
	v4 =	vadd.s32 v1, v4;
	_ =	sdelay $0x1  }
0x17d: {  	v3 =	vadd.s32 v1, v3;
	_ =	sdelay $0x1  }
0x17e: {  	s3 =	simm.s32 $0x6800  }
0x17f: {  	[tilespmem:s3], [sflag:$0x2] =	stream.indirect_vreg.gather [hbm4b:s4+s2], $0x80, v4, vm0, $0xb8;
	[tilespmem:$0x18800] =	vst v63  }
0x180: {  	s29 =	simm.s32 $0x7000  }
0x181: {  	[tilespmem:s29], [sflag:$0x2] =	stream.indirect_vreg.gather [hbm4b:s4+s2], $0x80, v3, vm0, $0xb8;
	[tilespmem:$0x18800] =	vst v63  }
0x182: {  	v3 =	vld [tilespmem:$0x3B0];
	_ =	sdelay $0x4  }
0x183: {  	v31 =	vshll.u32 v3, $0x1  }
0x184: {  	v3 =	vand.u32 $0x7, v3;
	v4 =	vand.u32 $0xFFFFFFF0, v31  }
0x185: {  	v3 =	vor.u32 v3, v4  }
0x186: {  	v4 =	vperm.xlane v3, v0;
	_ =	sdelay $0x1  }
0x187: {  	v3 =	vperm.xlane v3, v2;
	v4 =	vadd.s32 v1, v4;
	_ =	sdelay $0x1  }
0x188: {  	v3 =	vadd.s32 v1, v3;
	_ =	sdelay $0x1  }
0x189: {  	s3 =	simm.s32 $0x7800  }
0x18a: {  	[tilespmem:s3], [sflag:$0x2] =	stream.indirect_vreg.gather [hbm4b:s4+s2], $0x80, v4, vm0, $0xb8;
	[tilespmem:$0x18800] =	vst v63  }
0x18b: {  	s1 =	simm.s32 $0x6;
	s29 =	simm.s32 $0x8000  }
0x18c: {  	[tilespmem:s29], [sflag:$0x2] =	stream.indirect_vreg.gather [hbm4b:s4+s2], $0x80, v3, vm0, $0xb8;
	[tilespmem:$0x18800] =	vst v63  }
0x18d: {  	_ =	swait.ge [sflag:s1], $0x4000  }
0x18e: {  	[sflag:s1] =	ssyncset.done $0x0  }
0x18f: {  	s3 =	rddreg [dreg:$0x8];
	[sflag:s1] =	ssyncadd.s32 $0xFFFFC000  }
0x190: {  	[hbm4b:s3+s2] =	stream.linear.scatter [tilespmem:s9], [sflag:$0xC], $0x4000, $0x38;
	[tilespmem:$0x18800] =	vst v63  }
0x191: {  	_ =	swait.ge [sflag:s24], $0x4000  }
0x192: {  	[sflag:s24] =	ssyncset.done $0x0  }
0x193: {  	[sflag:s24] =	ssyncadd.s32 $0xFFFFC000  }
0x194: {  	v3 =	vld [tilespmem:$0x400];
	_ =	sdelay $0x4  }
0x195: {  	v32 =	vshll.u32 v3, $0x1  }
0x196: {  	v3 =	vand.u32 $0x7, v3;
	v4 =	vand.u32 $0xFFFFFFF0, v32  }
0x197: {  	v3 =	vor.u32 v3, v4  }
0x198: {  	v4 =	vperm.xlane v3, v0;
	_ =	sdelay $0x1  }
0x199: {  	v3 =	vperm.xlane v3, v2;
	v4 =	vadd.s32 v1, v4;
	_ =	sdelay $0x1  }
0x19a: {  	v3 =	vadd.s32 v1, v3;
	_ =	sdelay $0x2  }
0x19b: {  	[tilespmem:s6], [sflag:$0x3] =	stream.indirect_vreg.gather [hbm4b:s4+s2], $0x80, v4, vm0, $0xb8;
	[tilespmem:$0x18800] =	vst v63  }
0x19c: {  	s29 =	simm.s32 $0x9000  }
0x19d: {  	[tilespmem:s29], [sflag:$0x3] =	stream.indirect_vreg.gather [hbm4b:s4+s2], $0x80, v3, vm0, $0xb8;
	[tilespmem:$0x18800] =	vst v63  }
0x19e: {  	v3 =	vld [tilespmem:$0x410];
	_ =	sdelay $0x4  }
0x19f: {  	v33 =	vshll.u32 v3, $0x1  }
0x1a0: {  	v3 =	vand.u32 $0x7, v3;
	v4 =	vand.u32 $0xFFFFFFF0, v33  }
0x1a1: {  	v3 =	vor.u32 v3, v4  }
0x1a2: {  	v4 =	vperm.xlane v3, v0;
	_ =	sdelay $0x1  }
0x1a3: {  	v3 =	vperm.xlane v3, v2;
	v4 =	vadd.s32 v1, v4;
	_ =	sdelay $0x1  }
0x1a4: {  	v3 =	vadd.s32 v1, v3;
	_ =	sdelay $0x1  }
0x1a5: {  	s29 =	simm.s32 $0x9800  }
0x1a6: {  	[tilespmem:s29], [sflag:$0x3] =	stream.indirect_vreg.gather [hbm4b:s4+s2], $0x80, v4, vm0, $0xb8;
	[tilespmem:$0x18800] =	vst v63  }
0x1a7: {  	s29 =	simm.s32 $0xA000  }
0x1a8: {  	[tilespmem:s29], [sflag:$0x3] =	stream.indirect_vreg.gather [hbm4b:s4+s2], $0x80, v3, vm0, $0xb8;
	[tilespmem:$0x18800] =	vst v63  }
0x1a9: {  	v3 =	vld [tilespmem:$0x420];
	_ =	sdelay $0x4  }
0x1aa: {  	v34 =	vshll.u32 v3, $0x1  }
0x1ab: {  	v3 =	vand.u32 $0x7, v3;
	v4 =	vand.u32 $0xFFFFFFF0, v34  }
0x1ac: {  	v3 =	vor.u32 v3, v4  }
0x1ad: {  	v4 =	vperm.xlane v3, v0;
	_ =	sdelay $0x1  }
0x1ae: {  	v3 =	vperm.xlane v3, v2;
	v4 =	vadd.s32 v1, v4;
	_ =	sdelay $0x1  }
0x1af: {  	v3 =	vadd.s32 v1, v3;
	_ =	sdelay $0x1  }
0x1b0: {  	s29 =	simm.s32 $0xA800  }
0x1b1: {  	[tilespmem:s29], [sflag:$0x3] =	stream.indirect_vreg.gather [hbm4b:s4+s2], $0x80, v4, vm0, $0xb8;
	[tilespmem:$0x18800] =	vst v63  }
0x1b2: {  	s29 =	simm.s32 $0xB000  }
0x1b3: {  	[tilespmem:s29], [sflag:$0x3] =	stream.indirect_vreg.gather [hbm4b:s4+s2], $0x80, v3, vm0, $0xb8;
	[tilespmem:$0x18800] =	vst v63  }
0x1b4: {  	v3 =	vld [tilespmem:$0x430];
	_ =	sdelay $0x4  }
0x1b5: {  	v35 =	vshll.u32 v3, $0x1  }
0x1b6: {  	v3 =	vand.u32 $0x7, v3;
	v4 =	vand.u32 $0xFFFFFFF0, v35  }
0x1b7: {  	v3 =	vor.u32 v3, v4  }
0x1b8: {  	v4 =	vperm.xlane v3, v0;
	_ =	sdelay $0x1  }
0x1b9: {  	v3 =	vperm.xlane v3, v2;
	v4 =	vadd.s32 v1, v4;
	_ =	sdelay $0x1  }
0x1ba: {  	v3 =	vadd.s32 v1, v3;
	_ =	sdelay $0x1  }
0x1bb: {  	s29 =	simm.s32 $0xB800  }
0x1bc: {  	[tilespmem:s29], [sflag:$0x3] =	stream.indirect_vreg.gather [hbm4b:s4+s2], $0x80, v4, vm0, $0xb8;
	[tilespmem:$0x18800] =	vst v63  }
0x1bd: {  	s29 =	simm.s32 $0xC000  }
0x1be: {  	[tilespmem:s29], [sflag:$0x3] =	stream.indirect_vreg.gather [hbm4b:s4+s2], $0x80, v3, vm0, $0xb8;
	[tilespmem:$0x18800] =	vst v63  }
0x1bf: {  	_ =	swait.ge [sflag:s22], $0x4000  }
0x1c0: {  	[sflag:s22] =	ssyncset.done $0x0  }
0x1c1: {  	s3 =	rddreg [dreg:$0x9];
	[sflag:s22] =	ssyncadd.s32 $0xFFFFC000  }
0x1c2: {  	[hbm4b:s3+s2] =	stream.linear.scatter [tilespmem:s15], [sflag:$0x7], $0x4000, $0x38;
	[tilespmem:$0x18800] =	vst v63  }
0x1c3: {  	_ =	swait.ge [sflag:s25], $0x4000  }
0x1c4: {  	[sflag:s25] =	ssyncset.done $0x0  }
0x1c5: {  	[sflag:s25] =	ssyncadd.s32 $0xFFFFC000  }
0x1c6: {  	v3 =	vld [tilespmem:$0x480];
	_ =	sdelay $0x4  }
0x1c7: {  	v36 =	vshll.u32 v3, $0x1  }
0x1c8: {  	v3 =	vand.u32 $0x7, v3;
	v4 =	vand.u32 $0xFFFFFFF0, v36  }
0x1c9: {  	v3 =	vor.u32 v3, v4  }
0x1ca: {  	v4 =	vperm.xlane v3, v0;
	_ =	sdelay $0x1  }
0x1cb: {  	v3 =	vperm.xlane v3, v2;
	v4 =	vadd.s32 v1, v4;
	_ =	sdelay $0x1  }
0x1cc: {  	v3 =	vadd.s32 v1, v3;
	_ =	sdelay $0x2  }
0x1cd: {  	[tilespmem:s20], [sflag:$0x4] =	stream.indirect_vreg.gather [hbm4b:s4+s2], $0x80, v4, vm0, $0xb8;
	[tilespmem:$0x18800] =	vst v63  }
0x1ce: {  	s29 =	simm.s32 $0xD000  }
0x1cf: {  	[tilespmem:s29], [sflag:$0x4] =	stream.indirect_vreg.gather [hbm4b:s4+s2], $0x80, v3, vm0, $0xb8;
	[tilespmem:$0x18800] =	vst v63  }
0x1d0: {  	v3 =	vld [tilespmem:$0x490];
	_ =	sdelay $0x4  }
0x1d1: {  	v37 =	vshll.u32 v3, $0x1  }
0x1d2: {  	v3 =	vand.u32 $0x7, v3;
	v4 =	vand.u32 $0xFFFFFFF0, v37  }
0x1d3: {  	v3 =	vor.u32 v3, v4  }
0x1d4: {  	v4 =	vperm.xlane v3, v0;
	_ =	sdelay $0x1  }
0x1d5: {  	v3 =	vperm.xlane v3, v2;
	v4 =	vadd.s32 v1, v4;
	_ =	sdelay $0x1  }
0x1d6: {  	v3 =	vadd.s32 v1, v3;
	_ =	sdelay $0x1  }
0x1d7: {  	s29 =	simm.s32 $0xD800  }
0x1d8: {  	[tilespmem:s29], [sflag:$0x4] =	stream.indirect_vreg.gather [hbm4b:s4+s2], $0x80, v4, vm0, $0xb8;
	[tilespmem:$0x18800] =	vst v63  }
0x1d9: {  	s29 =	simm.s32 $0xE000  }
0x1da: {  	[tilespmem:s29], [sflag:$0x4] =	stream.indirect_vreg.gather [hbm4b:s4+s2], $0x80, v3, vm0, $0xb8;
	[tilespmem:$0x18800] =	vst v63  }
0x1db: {  	v3 =	vld [tilespmem:$0x4A0];
	_ =	sdelay $0x4  }
0x1dc: {  	v38 =	vshll.u32 v3, $0x1  }
0x1dd: {  	v3 =	vand.u32 $0x7, v3;
	v4 =	vand.u32 $0xFFFFFFF0, v38  }
0x1de: {  	v3 =	vor.u32 v3, v4  }
0x1df: {  	v4 =	vperm.xlane v3, v0;
	_ =	sdelay $0x1  }
0x1e0: {  	v3 =	vperm.xlane v3, v2;
	v4 =	vadd.s32 v1, v4;
	_ =	sdelay $0x1  }
0x1e1: {  	v3 =	vadd.s32 v1, v3;
	_ =	sdelay $0x1  }
0x1e2: {  	s29 =	simm.s32 $0xE800  }
0x1e3: {  	[tilespmem:s29], [sflag:$0x4] =	stream.indirect_vreg.gather [hbm4b:s4+s2], $0x80, v4, vm0, $0xb8;
	[tilespmem:$0x18800] =	vst v63  }
0x1e4: {  	s29 =	simm.s32 $0xF000  }
0x1e5: {  	[tilespmem:s29], [sflag:$0x4] =	stream.indirect_vreg.gather [hbm4b:s4+s2], $0x80, v3, vm0, $0xb8;
	[tilespmem:$0x18800] =	vst v63  }
0x1e6: {  	v3 =	vld [tilespmem:$0x4B0];
	_ =	sdelay $0x4  }
0x1e7: {  	v39 =	vshll.u32 v3, $0x1  }
0x1e8: {  	v3 =	vand.u32 $0x7, v3;
	v4 =	vand.u32 $0xFFFFFFF0, v39  }
0x1e9: {  	v3 =	vor.u32 v3, v4  }
0x1ea: {  	v4 =	vperm.xlane v3, v0;
	_ =	sdelay $0x1  }
0x1eb: {  	v3 =	vperm.xlane v3, v2;
	v4 =	vadd.s32 v1, v4;
	_ =	sdelay $0x1  }
0x1ec: {  	v3 =	vadd.s32 v1, v3;
	_ =	sdelay $0x1  }
0x1ed: {  	s29 =	simm.s32 $0xF800  }
0x1ee: {  	[tilespmem:s29], [sflag:$0x4] =	stream.indirect_vreg.gather [hbm4b:s4+s2], $0x80, v4, vm0, $0xb8;
	[tilespmem:$0x18800] =	vst v63  }
0x1ef: {  	s29 =	simm.s32 $0x10000  }
0x1f0: {  	[tilespmem:s29], [sflag:$0x4] =	stream.indirect_vreg.gather [hbm4b:s4+s2], $0x80, v3, vm0, $0xb8;
	[tilespmem:$0x18800] =	vst v63  }
0x1f1: {  	_ =	swait.ge [sflag:s13], $0x4000  }
0x1f2: {  	[sflag:s13] =	ssyncset.done $0x0  }
0x1f3: {  	s3 =	rddreg [dreg:$0xa];
	[sflag:s13] =	ssyncadd.s32 $0xFFFFC000  }
0x1f4: {  	[hbm4b:s3+s2] =	stream.linear.scatter [tilespmem:s23], [sflag:$0x8], $0x4000, $0x38;
	[tilespmem:$0x18800] =	vst v63  }
0x1f5: {  	s3 =	simm.s32 $0xB  }
0x1f6: {  	_ =	swait.ge [sflag:s3], $0x4000  }
0x1f7: {  	[sflag:s3] =	ssyncset.done $0x0  }
0x1f8: {  	[sflag:s3] =	ssyncadd.s32 $0xFFFFC000  }
0x1f9: {  	v3 =	vld [tilespmem:$0x500];
	_ =	sdelay $0x4  }
0x1fa: {  	v40 =	vshll.u32 v3, $0x1  }
0x1fb: {  	v3 =	vand.u32 $0x7, v3;
	v4 =	vand.u32 $0xFFFFFFF0, v40  }
0x1fc: {  	v3 =	vor.u32 v3, v4  }
0x1fd: {  	v4 =	vperm.xlane v3, v0;
	_ =	sdelay $0x1  }
0x1fe: {  	v3 =	vperm.xlane v3, v2;
	v4 =	vadd.s32 v1, v4;
	_ =	sdelay $0x1  }
0x1ff: {  	v3 =	vadd.s32 v1, v3;
	_ =	sdelay $0x2  }
0x200: {  	[tilespmem:s7], [sflag:$0x5] =	stream.indirect_vreg.gather [hbm4b:s4+s2], $0x80, v4, vm0, $0xb8;
	[tilespmem:$0x18800] =	vst v63  }
0x201: {  	_ = 	snop  }
0x202: {  	[tilespmem:s11], [sflag:$0x5] =	stream.indirect_vreg.gather [hbm4b:s4+s2], $0x80, v3, vm0, $0xb8;
	[tilespmem:$0x18800] =	vst v63  }
0x203: {  	v3 =	vld [tilespmem:$0x510];
	_ =	sdelay $0x4  }
0x204: {  	v41 =	vshll.u32 v3, $0x1  }
0x205: {  	v3 =	vand.u32 $0x7, v3;
	v4 =	vand.u32 $0xFFFFFFF0, v41  }
0x206: {  	v3 =	vor.u32 v3, v4  }
0x207: {  	v4 =	vperm.xlane v3, v0;
	_ =	sdelay $0x1  }
0x208: {  	v3 =	vperm.xlane v3, v2;
	v4 =	vadd.s32 v1, v4;
	_ =	sdelay $0x1  }
0x209: {  	v3 =	vadd.s32 v1, v3;
	_ =	sdelay $0x2  }
0x20a: {  	[tilespmem:s12], [sflag:$0x5] =	stream.indirect_vreg.gather [hbm4b:s4+s2], $0x80, v4, vm0, $0xb8;
	[tilespmem:$0x18800] =	vst v63  }
0x20b: {  	_ = 	snop  }
0x20c: {  	[tilespmem:s14], [sflag:$0x5] =	stream.indirect_vreg.gather [hbm4b:s4+s2], $0x80, v3, vm0, $0xb8;
	[tilespmem:$0x18800] =	vst v63  }
0x20d: {  	v3 =	vld [tilespmem:$0x520];
	_ =	sdelay $0x4  }
0x20e: {  	v42 =	vshll.u32 v3, $0x1  }
0x20f: {  	v3 =	vand.u32 $0x7, v3;
	v4 =	vand.u32 $0xFFFFFFF0, v42  }
0x210: {  	v3 =	vor.u32 v3, v4  }
0x211: {  	v4 =	vperm.xlane v3, v0;
	_ =	sdelay $0x1  }
0x212: {  	v3 =	vperm.xlane v3, v2;
	v4 =	vadd.s32 v1, v4;
	_ =	sdelay $0x1  }
0x213: {  	v3 =	vadd.s32 v1, v3;
	_ =	sdelay $0x2  }
0x214: {  	[tilespmem:s17], [sflag:$0x5] =	stream.indirect_vreg.gather [hbm4b:s4+s2], $0x80, v4, vm0, $0xb8;
	[tilespmem:$0x18800] =	vst v63  }
0x215: {  	_ = 	snop  }
0x216: {  	[tilespmem:s10], [sflag:$0x5] =	stream.indirect_vreg.gather [hbm4b:s4+s2], $0x80, v3, vm0, $0xb8;
	[tilespmem:$0x18800] =	vst v63  }
0x217: {  	v3 =	vld [tilespmem:$0x530];
	_ =	sdelay $0x4  }
0x218: {  	v43 =	vshll.u32 v3, $0x1  }
0x219: {  	v3 =	vand.u32 $0x7, v3;
	v4 =	vand.u32 $0xFFFFFFF0, v43  }
0x21a: {  	v3 =	vor.u32 v3, v4  }
0x21b: {  	v4 =	vperm.xlane v3, v0;
	_ =	sdelay $0x1  }
0x21c: {  	v3 =	vperm.xlane v3, v2;
	v4 =	vadd.s32 v1, v4;
	_ =	sdelay $0x1  }
0x21d: {  	v3 =	vadd.s32 v1, v3;
	_ =	sdelay $0x2  }
0x21e: {  	[tilespmem:s26], [sflag:$0x5] =	stream.indirect_vreg.gather [hbm4b:s4+s2], $0x80, v4, vm0, $0xb8;
	[tilespmem:$0x18800] =	vst v63  }
0x21f: {  	_ = 	snop  }
0x220: {  	[tilespmem:s8], [sflag:$0x5] =	stream.indirect_vreg.gather [hbm4b:s4+s2], $0x80, v3, vm0, $0xb8;
	[tilespmem:$0x18800] =	vst v63  }
0x221: {  	_ =	swait.ge [sflag:s16], $0x4000  }
0x222: {  	[sflag:s16] =	ssyncset.done $0x0  }
0x223: {  	s8 =	simm.s32 $0xC;
	s10 =	rddreg [dreg:$0xb];
	[sflag:s16] =	ssyncadd.s32 $0xFFFFC000  }
0x224: {  	[hbm4b:s10+s2] =	stream.linear.scatter [tilespmem:s6], [sflag:$0x9], $0x4000, $0x38;
	[tilespmem:$0x18800] =	vst v63  }
0x225: {  	_ =	swait.ge [sflag:s8], $0x4000  }
0x226: {  	[sflag:s8] =	ssyncset.done $0x0  }
0x227: {  	[sflag:s8] =	ssyncadd.s32 $0xFFFFC000  }
0x228: {  	v3 =	vld [tilespmem:$0x580];
	_ =	sdelay $0x4  }
0x229: {  	v44 =	vshll.u32 v3, $0x1  }
0x22a: {  	v3 =	vand.u32 $0x7, v3;
	v4 =	vand.u32 $0xFFFFFFF0, v44  }
0x22b: {  	v3 =	vor.u32 v3, v4  }
0x22c: {  	v4 =	vperm.xlane v3, v0;
	_ =	sdelay $0x1  }
0x22d: {  	v3 =	vperm.xlane v3, v2;
	v4 =	vadd.s32 v1, v4;
	_ =	sdelay $0x1  }
0x22e: {  	v3 =	vadd.s32 v1, v3;
	_ =	sdelay $0x2  }
0x22f: {  	[tilespmem:s9], [sflag:$0x6] =	stream.indirect_vreg.gather [hbm4b:s4+s2], $0x80, v4, vm0, $0xb8;
	[tilespmem:$0x18800] =	vst v63  }
0x230: {  	s29 =	simm.s32 $0x15000  }
0x231: {  	[tilespmem:s29], [sflag:$0x6] =	stream.indirect_vreg.gather [hbm4b:s4+s2], $0x80, v3, vm0, $0xb8;
	[tilespmem:$0x18800] =	vst v63  }
0x232: {  	v3 =	vld [tilespmem:$0x590];
	_ =	sdelay $0x4  }
0x233: {  	v45 =	vshll.u32 v3, $0x1  }
0x234: {  	v3 =	vand.u32 $0x7, v3;
	v4 =	vand.u32 $0xFFFFFFF0, v45  }
0x235: {  	v3 =	vor.u32 v3, v4  }
0x236: {  	v4 =	vperm.xlane v3, v0;
	_ =	sdelay $0x1  }
0x237: {  	v3 =	vperm.xlane v3, v2;
	v4 =	vadd.s32 v1, v4;
	_ =	sdelay $0x1  }
0x238: {  	v3 =	vadd.s32 v1, v3;
	_ =	sdelay $0x2  }
0x239: {  	[tilespmem:s30], [sflag:$0x6] =	stream.indirect_vreg.gather [hbm4b:s4+s2], $0x80, v4, vm0, $0xb8;
	[tilespmem:$0x18800] =	vst v63  }
0x23a: {  	_ = 	snop  }
0x23b: {  	[tilespmem:s31], [sflag:$0x6] =	stream.indirect_vreg.gather [hbm4b:s4+s2], $0x80, v3, vm0, $0xb8;
	[tilespmem:$0x18800] =	vst v63  }
0x23c: {  	v3 =	vld [tilespmem:$0x5A0];
	_ =	sdelay $0x4  }
0x23d: {  	v46 =	vshll.u32 v3, $0x1  }
0x23e: {  	v3 =	vand.u32 $0x7, v3;
	v4 =	vand.u32 $0xFFFFFFF0, v46  }
0x23f: {  	v3 =	vor.u32 v3, v4  }
0x240: {  	v4 =	vperm.xlane v3, v0;
	_ =	sdelay $0x1  }
0x241: {  	v3 =	vperm.xlane v3, v2;
	v4 =	vadd.s32 v1, v4;
	_ =	sdelay $0x1  }
0x242: {  	v3 =	vadd.s32 v1, v3;
	_ =	sdelay $0x1  }
0x243: {  	s29 =	simm.s32 $0x16800  }
0x244: {  	[tilespmem:s29], [sflag:$0x6] =	stream.indirect_vreg.gather [hbm4b:s4+s2], $0x80, v4, vm0, $0xb8;
	[tilespmem:$0x18800] =	vst v63  }
0x245: {  	s29 =	simm.s32 $0x17000  }
0x246: {  	[tilespmem:s29], [sflag:$0x6] =	stream.indirect_vreg.gather [hbm4b:s4+s2], $0x80, v3, vm0, $0xb8;
	[tilespmem:$0x18800] =	vst v63  }
0x247: {  	v3 =	vld [tilespmem:$0x5B0];
	_ =	sdelay $0x4  }
0x248: {  	v47 =	vshll.u32 v3, $0x1  }
0x249: {  	v3 =	vand.u32 $0x7, v3;
	v4 =	vand.u32 $0xFFFFFFF0, v47  }
0x24a: {  	v3 =	vor.u32 v3, v4  }
0x24b: {  	v4 =	vperm.xlane v3, v0;
	_ =	sdelay $0x1  }
0x24c: {  	v3 =	vperm.xlane v3, v2;
	v4 =	vadd.s32 v1, v4;
	_ =	sdelay $0x1  }
0x24d: {  	v3 =	vadd.s32 v1, v3;
	_ =	sdelay $0x2  }
0x24e: {  	[tilespmem:s28], [sflag:$0x6] =	stream.indirect_vreg.gather [hbm4b:s4+s2], $0x80, v4, vm0, $0xb8;
	[tilespmem:$0x18800] =	vst v63  }
0x24f: {  	s29 =	simm.s32 $0x18000  }
0x250: {  	[tilespmem:s29], [sflag:$0x6] =	stream.indirect_vreg.gather [hbm4b:s4+s2], $0x80, v3, vm0, $0xb8;
	[tilespmem:$0x18800] =	vst v63  }
0x251: {  	_ =	swait.ge [sflag:s18], $0x4000  }
0x252: {  	[sflag:s18] =	ssyncset.done $0x0  }
0x253: {  	s10 =	rddreg [dreg:$0xc];
	[sflag:s18] =	ssyncadd.s32 $0xFFFFC000  }
0x254: {  	[hbm4b:s10+s2] =	stream.linear.scatter [tilespmem:s20], [sflag:$0xA], $0x4000, $0x38;
	[tilespmem:$0x18800] =	vst v63  }
0x255: {  	_ =	swait.ge [sflag:s19], $0x4000  }
0x256: {  	[sflag:s19] =	ssyncset.done $0x0  }
0x257: {  	[sflag:s19] =	ssyncadd.s32 $0xFFFFC000  }
0x258: {  	v3 =	vld [tilespmem:$0x600];
	_ =	sdelay $0x4  }
0x259: {  	v48 =	vshll.u32 v3, $0x1  }
0x25a: {  	v3 =	vand.u32 $0x7, v3;
	v4 =	vand.u32 $0xFFFFFFF0, v48  }
0x25b: {  	v3 =	vor.u32 v3, v4  }
0x25c: {  	v4 =	vperm.xlane v3, v0;
	_ =	sdelay $0x1  }
0x25d: {  	v3 =	vperm.xlane v3, v2;
	v4 =	vadd.s32 v1, v4;
	_ =	sdelay $0x1  }
0x25e: {  	v3 =	vadd.s32 v1, v3;
	_ =	sdelay $0x2  }
0x25f: {  	[tilespmem:s15], [sflag:$0x1] =	stream.indirect_vreg.gather [hbm4b:s4+s2], $0x80, v4, vm0, $0xb8;
	[tilespmem:$0x18800] =	vst v63  }
0x260: {  	s29 =	simm.s32 $0x1000  }
0x261: {  	[tilespmem:s29], [sflag:$0x1] =	stream.indirect_vreg.gather [hbm4b:s4+s2], $0x80, v3, vm0, $0xb8;
	[tilespmem:$0x18800] =	vst v63  }
0x262: {  	v3 =	vld [tilespmem:$0x610];
	_ =	sdelay $0x4  }
0x263: {  	v49 =	vshll.u32 v3, $0x1  }
0x264: {  	v3 =	vand.u32 $0x7, v3;
	v4 =	vand.u32 $0xFFFFFFF0, v49  }
0x265: {  	v3 =	vor.u32 v3, v4  }
0x266: {  	v4 =	vperm.xlane v3, v0;
	_ =	sdelay $0x1  }
0x267: {  	v3 =	vperm.xlane v3, v2;
	v4 =	vadd.s32 v1, v4;
	_ =	sdelay $0x1  }
0x268: {  	v3 =	vadd.s32 v1, v3;
	_ =	sdelay $0x1  }
0x269: {  	s29 =	simm.s32 $0x1800  }
0x26a: {  	[tilespmem:s29], [sflag:$0x1] =	stream.indirect_vreg.gather [hbm4b:s4+s2], $0x80, v4, vm0, $0xb8;
	[tilespmem:$0x18800] =	vst v63  }
0x26b: {  	s29 =	simm.s32 $0x2000  }
0x26c: {  	[tilespmem:s29], [sflag:$0x1] =	stream.indirect_vreg.gather [hbm4b:s4+s2], $0x80, v3, vm0, $0xb8;
	[tilespmem:$0x18800] =	vst v63  }
0x26d: {  	v3 =	vld [tilespmem:$0x620];
	_ =	sdelay $0x4  }
0x26e: {  	v50 =	vshll.u32 v3, $0x1  }
0x26f: {  	v3 =	vand.u32 $0x7, v3;
	v4 =	vand.u32 $0xFFFFFFF0, v50  }
0x270: {  	v3 =	vor.u32 v3, v4  }
0x271: {  	v4 =	vperm.xlane v3, v0;
	_ =	sdelay $0x1  }
0x272: {  	v3 =	vperm.xlane v3, v2;
	v4 =	vadd.s32 v1, v4;
	_ =	sdelay $0x1  }
0x273: {  	v3 =	vadd.s32 v1, v3;
	_ =	sdelay $0x1  }
0x274: {  	s29 =	simm.s32 $0x2800  }
0x275: {  	[tilespmem:s29], [sflag:$0x1] =	stream.indirect_vreg.gather [hbm4b:s4+s2], $0x80, v4, vm0, $0xb8;
	[tilespmem:$0x18800] =	vst v63  }
0x276: {  	s29 =	simm.s32 $0x3000  }
0x277: {  	[tilespmem:s29], [sflag:$0x1] =	stream.indirect_vreg.gather [hbm4b:s4+s2], $0x80, v3, vm0, $0xb8;
	[tilespmem:$0x18800] =	vst v63  }
0x278: {  	v3 =	vld [tilespmem:$0x630];
	_ =	sdelay $0x4  }
0x279: {  	v51 =	vshll.u32 v3, $0x1  }
0x27a: {  	v3 =	vand.u32 $0x7, v3;
	v4 =	vand.u32 $0xFFFFFFF0, v51  }
0x27b: {  	v3 =	vor.u32 v3, v4  }
0x27c: {  	v4 =	vperm.xlane v3, v0;
	_ =	sdelay $0x1  }
0x27d: {  	v3 =	vperm.xlane v3, v2;
	v4 =	vadd.s32 v1, v4;
	_ =	sdelay $0x1  }
0x27e: {  	v3 =	vadd.s32 v1, v3;
	_ =	sdelay $0x1  }
0x27f: {  	s29 =	simm.s32 $0x3800  }
0x280: {  	[tilespmem:s29], [sflag:$0x1] =	stream.indirect_vreg.gather [hbm4b:s4+s2], $0x80, v4, vm0, $0xb8;
	[tilespmem:$0x18800] =	vst v63  }
0x281: {  	s29 =	simm.s32 $0x4000  }
0x282: {  	[tilespmem:s29], [sflag:$0x1] =	stream.indirect_vreg.gather [hbm4b:s4+s2], $0x80, v3, vm0, $0xb8;
	[tilespmem:$0x18800] =	vst v63  }
0x283: {  	_ =	swait.ge [sflag:s0], $0x4000  }
0x284: {  	[sflag:s0] =	ssyncset.done $0x0  }
0x285: {  	s10 =	rddreg [dreg:$0xd];
	[sflag:s0] =	ssyncadd.s32 $0xFFFFC000  }
0x286: {  	[hbm4b:s10+s2] =	stream.linear.scatter [tilespmem:s7], [sflag:$0xB], $0x4000, $0x38;
	[tilespmem:$0x18800] =	vst v63  }
0x287: {  	_ =	swait.ge [sflag:s21], $0x4000  }
0x288: {  	[sflag:s21] =	ssyncset.done $0x0  }
0x289: {  	[sflag:s21] =	ssyncadd.s32 $0xFFFFC000  }
0x28a: {  	v3 =	vld [tilespmem:$0x680];
	_ =	sdelay $0x4  }
0x28b: {  	v52 =	vshll.u32 v3, $0x1  }
0x28c: {  	v3 =	vand.u32 $0x7, v3;
	v4 =	vand.u32 $0xFFFFFFF0, v52  }
0x28d: {  	v3 =	vor.u32 v3, v4  }
0x28e: {  	v4 =	vperm.xlane v3, v0;
	_ =	sdelay $0x1  }
0x28f: {  	v3 =	vperm.xlane v3, v2;
	v4 =	vadd.s32 v1, v4;
	_ =	sdelay $0x1  }
0x290: {  	v3 =	vadd.s32 v1, v3;
	_ =	sdelay $0x2  }
0x291: {  	[tilespmem:s23], [sflag:$0x2] =	stream.indirect_vreg.gather [hbm4b:s4+s2], $0x80, v4, vm0, $0xb8;
	[tilespmem:$0x18800] =	vst v63  }
0x292: {  	s29 =	simm.s32 $0x5000  }
0x293: {  	[tilespmem:s29], [sflag:$0x2] =	stream.indirect_vreg.gather [hbm4b:s4+s2], $0x80, v3, vm0, $0xb8;
	[tilespmem:$0x18800] =	vst v63  }
0x294: {  	v3 =	vld [tilespmem:$0x690];
	_ =	sdelay $0x4  }
0x295: {  	v53 =	vshll.u32 v3, $0x1  }
0x296: {  	v3 =	vand.u32 $0x7, v3;
	v4 =	vand.u32 $0xFFFFFFF0, v53  }
0x297: {  	v3 =	vor.u32 v3, v4  }
0x298: {  	v4 =	vperm.xlane v3, v0;
	_ =	sdelay $0x1  }
0x299: {  	v3 =	vperm.xlane v3, v2;
	v4 =	vadd.s32 v1, v4;
	_ =	sdelay $0x1  }
0x29a: {  	v3 =	vadd.s32 v1, v3;
	_ =	sdelay $0x1  }
0x29b: {  	s10 =	simm.s32 $0x5800  }
0x29c: {  	[tilespmem:s10], [sflag:$0x2] =	stream.indirect_vreg.gather [hbm4b:s4+s2], $0x80, v4, vm0, $0xb8;
	[tilespmem:$0x18800] =	vst v63  }
0x29d: {  	s29 =	simm.s32 $0x6000  }
0x29e: {  	[tilespmem:s29], [sflag:$0x2] =	stream.indirect_vreg.gather [hbm4b:s4+s2], $0x80, v3, vm0, $0xb8;
	[tilespmem:$0x18800] =	vst v63  }
0x29f: {  	v3 =	vld [tilespmem:$0x6A0];
	_ =	sdelay $0x4  }
0x2a0: {  	v54 =	vshll.u32 v3, $0x1  }
0x2a1: {  	v3 =	vand.u32 $0x7, v3;
	v4 =	vand.u32 $0xFFFFFFF0, v54  }
0x2a2: {  	v3 =	vor.u32 v3, v4  }
0x2a3: {  	v4 =	vperm.xlane v3, v0;
	_ =	sdelay $0x1  }
0x2a4: {  	v3 =	vperm.xlane v3, v2;
	v4 =	vadd.s32 v1, v4;
	_ =	sdelay $0x1  }
0x2a5: {  	v3 =	vadd.s32 v1, v3;
	_ =	sdelay $0x1  }
0x2a6: {  	s10 =	simm.s32 $0x6800  }
0x2a7: {  	[tilespmem:s10], [sflag:$0x2] =	stream.indirect_vreg.gather [hbm4b:s4+s2], $0x80, v4, vm0, $0xb8;
	[tilespmem:$0x18800] =	vst v63  }
0x2a8: {  	s29 =	simm.s32 $0x7000  }
0x2a9: {  	[tilespmem:s29], [sflag:$0x2] =	stream.indirect_vreg.gather [hbm4b:s4+s2], $0x80, v3, vm0, $0xb8;
	[tilespmem:$0x18800] =	vst v63  }
0x2aa: {  	v3 =	vld [tilespmem:$0x6B0];
	_ =	sdelay $0x4  }
0x2ab: {  	v55 =	vshll.u32 v3, $0x1  }
0x2ac: {  	v3 =	vand.u32 $0x7, v3;
	v4 =	vand.u32 $0xFFFFFFF0, v55  }
0x2ad: {  	v3 =	vor.u32 v3, v4  }
0x2ae: {  	v4 =	vperm.xlane v3, v0;
	_ =	sdelay $0x1  }
0x2af: {  	v3 =	vperm.xlane v3, v2;
	v4 =	vadd.s32 v1, v4;
	_ =	sdelay $0x1  }
0x2b0: {  	v3 =	vadd.s32 v1, v3;
	_ =	sdelay $0x1  }
0x2b1: {  	s10 =	simm.s32 $0x7800  }
0x2b2: {  	[tilespmem:s10], [sflag:$0x2] =	stream.indirect_vreg.gather [hbm4b:s4+s2], $0x80, v4, vm0, $0xb8;
	[tilespmem:$0x18800] =	vst v63  }
0x2b3: {  	s29 =	simm.s32 $0x8000  }
0x2b4: {  	[tilespmem:s29], [sflag:$0x2] =	stream.indirect_vreg.gather [hbm4b:s4+s2], $0x80, v3, vm0, $0xb8;
	[tilespmem:$0x18800] =	vst v63  }
0x2b5: {  	_ =	swait.ge [sflag:s1], $0x4000  }
0x2b6: {  	[sflag:s1] =	ssyncset.done $0x0  }
0x2b7: {  	s0 =	rddreg [dreg:$0xe];
	[sflag:s1] =	ssyncadd.s32 $0xFFFFC000  }
0x2b8: {  	[hbm4b:s0+s2] =	stream.linear.scatter [tilespmem:s9], [sflag:$0xC], $0x4000, $0x38;
	[tilespmem:$0x18800] =	vst v63  }
0x2b9: {  	_ =	swait.ge [sflag:s24], $0x4000  }
0x2ba: {  	[sflag:s24] =	ssyncset.done $0x0  }
0x2bb: {  	[sflag:s24] =	ssyncadd.s32 $0xFFFFC000  }
0x2bc: {  	v3 =	vld [tilespmem:$0x700];
	_ =	sdelay $0x4  }
0x2bd: {  	v56 =	vshll.u32 v3, $0x1  }
0x2be: {  	v3 =	vand.u32 $0x7, v3;
	v4 =	vand.u32 $0xFFFFFFF0, v56  }
0x2bf: {  	v3 =	vor.u32 v3, v4  }
0x2c0: {  	v4 =	vperm.xlane v3, v0;
	_ =	sdelay $0x1  }
0x2c1: {  	v3 =	vperm.xlane v3, v2;
	v4 =	vadd.s32 v1, v4;
	_ =	sdelay $0x1  }
0x2c2: {  	v3 =	vadd.s32 v1, v3;
	_ =	sdelay $0x2  }
0x2c3: {  	[tilespmem:s6], [sflag:$0x3] =	stream.indirect_vreg.gather [hbm4b:s4+s2], $0x80, v4, vm0, $0xb8;
	[tilespmem:$0x18800] =	vst v63  }
0x2c4: {  	s1 =	simm.s32 $0x9000  }
0x2c5: {  	[tilespmem:s1], [sflag:$0x3] =	stream.indirect_vreg.gather [hbm4b:s4+s2], $0x80, v3, vm0, $0xb8;
	[tilespmem:$0x18800] =	vst v63  }
0x2c6: {  	v3 =	vld [tilespmem:$0x710];
	_ =	sdelay $0x4  }
0x2c7: {  	v57 =	vshll.u32 v3, $0x1  }
0x2c8: {  	v3 =	vand.u32 $0x7, v3;
	v4 =	vand.u32 $0xFFFFFFF0, v57  }
0x2c9: {  	v3 =	vor.u32 v3, v4  }
0x2ca: {  	v4 =	vperm.xlane v3, v0;
	_ =	sdelay $0x1  }
0x2cb: {  	v3 =	vperm.xlane v3, v2;
	v4 =	vadd.s32 v1, v4;
	_ =	sdelay $0x1  }
0x2cc: {  	v3 =	vadd.s32 v1, v3;
	_ =	sdelay $0x1  }
0x2cd: {  	s10 =	simm.s32 $0x9800  }
0x2ce: {  	[tilespmem:s10], [sflag:$0x3] =	stream.indirect_vreg.gather [hbm4b:s4+s2], $0x80, v4, vm0, $0xb8;
	[tilespmem:$0x18800] =	vst v63  }
0x2cf: {  	s29 =	simm.s32 $0xA000  }
0x2d0: {  	[tilespmem:s29], [sflag:$0x3] =	stream.indirect_vreg.gather [hbm4b:s4+s2], $0x80, v3, vm0, $0xb8;
	[tilespmem:$0x18800] =	vst v63  }
0x2d1: {  	v3 =	vld [tilespmem:$0x720];
	_ =	sdelay $0x4  }
0x2d2: {  	v58 =	vshll.u32 v3, $0x1  }
0x2d3: {  	v3 =	vand.u32 $0x7, v3;
	v4 =	vand.u32 $0xFFFFFFF0, v58  }
0x2d4: {  	v3 =	vor.u32 v3, v4  }
0x2d5: {  	v4 =	vperm.xlane v3, v0;
	_ =	sdelay $0x1  }
0x2d6: {  	v3 =	vperm.xlane v3, v2;
	v4 =	vadd.s32 v1, v4;
	_ =	sdelay $0x1  }
0x2d7: {  	v3 =	vadd.s32 v1, v3;
	_ =	sdelay $0x1  }
0x2d8: {  	s1 =	simm.s32 $0xA800  }
0x2d9: {  	[tilespmem:s1], [sflag:$0x3] =	stream.indirect_vreg.gather [hbm4b:s4+s2], $0x80, v4, vm0, $0xb8;
	[tilespmem:$0x18800] =	vst v63  }
0x2da: {  	s10 =	simm.s32 $0xB000  }
0x2db: {  	[tilespmem:s10], [sflag:$0x3] =	stream.indirect_vreg.gather [hbm4b:s4+s2], $0x80, v3, vm0, $0xb8;
	[tilespmem:$0x18800] =	vst v63  }
0x2dc: {  	v3 =	vld [tilespmem:$0x730];
	_ =	sdelay $0x4  }
0x2dd: {  	v59 =	vshll.u32 v3, $0x1  }
0x2de: {  	v3 =	vand.u32 $0x7, v3;
	v4 =	vand.u32 $0xFFFFFFF0, v59  }
0x2df: {  	v3 =	vor.u32 v3, v4  }
0x2e0: {  	v4 =	vperm.xlane v3, v0;
	_ =	sdelay $0x1  }
0x2e1: {  	v3 =	vperm.xlane v3, v2;
	v4 =	vadd.s32 v1, v4;
	_ =	sdelay $0x1  }
0x2e2: {  	v3 =	vadd.s32 v1, v3;
	_ =	sdelay $0x1  }
0x2e3: {  	s29 =	simm.s32 $0xB800  }
0x2e4: {  	[tilespmem:s29], [sflag:$0x3] =	stream.indirect_vreg.gather [hbm4b:s4+s2], $0x80, v4, vm0, $0xb8;
	[tilespmem:$0x18800] =	vst v63  }
0x2e5: {  	s1 =	simm.s32 $0xC000  }
0x2e6: {  	[tilespmem:s1], [sflag:$0x3] =	stream.indirect_vreg.gather [hbm4b:s4+s2], $0x80, v3, vm0, $0xb8;
	[tilespmem:$0x18800] =	vst v63  }
0x2e7: {  	_ =	swait.ge [sflag:s22], $0x4000  }
0x2e8: {  	[sflag:s22] =	ssyncset.done $0x0  }
0x2e9: {  	s10 =	rddreg [dreg:$0xf];
	[sflag:s22] =	ssyncadd.s32 $0xFFFFC000  }
0x2ea: {  	[hbm4b:s10+s2] =	stream.linear.scatter [tilespmem:s15], [sflag:$0x7], $0x4000, $0x38;
	[tilespmem:$0x18800] =	vst v63  }
0x2eb: {  	_ =	swait.ge [sflag:s25], $0x4000  }
0x2ec: {  	[sflag:s25] =	ssyncset.done $0x0  }
0x2ed: {  	[sflag:s25] =	ssyncadd.s32 $0xFFFFC000  }
0x2ee: {  	v3 =	vld [tilespmem:$0x780];
	_ =	sdelay $0x4  }
0x2ef: {  	v60 =	vshll.u32 v3, $0x1  }
0x2f0: {  	v3 =	vand.u32 $0x7, v3;
	v4 =	vand.u32 $0xFFFFFFF0, v60  }
0x2f1: {  	v3 =	vor.u32 v3, v4  }
0x2f2: {  	v4 =	vperm.xlane v3, v0;
	_ =	sdelay $0x1  }
0x2f3: {  	v3 =	vperm.xlane v3, v2;
	v4 =	vadd.s32 v1, v4;
	_ =	sdelay $0x1  }
0x2f4: {  	v3 =	vadd.s32 v1, v3;
	_ =	sdelay $0x2  }
0x2f5: {  	[tilespmem:s20], [sflag:$0x4] =	stream.indirect_vreg.gather [hbm4b:s4+s2], $0x80, v4, vm0, $0xb8;
	[tilespmem:$0x18800] =	vst v63  }
0x2f6: {  	s29 =	simm.s32 $0xD000  }
0x2f7: {  	[tilespmem:s29], [sflag:$0x4] =	stream.indirect_vreg.gather [hbm4b:s4+s2], $0x80, v3, vm0, $0xb8;
	[tilespmem:$0x18800] =	vst v63  }
0x2f8: {  	v3 =	vld [tilespmem:$0x790];
	_ =	sdelay $0x4  }
0x2f9: {  	v61 =	vshll.u32 v3, $0x1  }
0x2fa: {  	v3 =	vand.u32 $0x7, v3;
	v4 =	vand.u32 $0xFFFFFFF0, v61  }
0x2fb: {  	v3 =	vor.u32 v3, v4  }
0x2fc: {  	v4 =	vperm.xlane v3, v0;
	_ =	sdelay $0x1  }
0x2fd: {  	v3 =	vperm.xlane v3, v2;
	v4 =	vadd.s32 v1, v4;
	_ =	sdelay $0x1  }
0x2fe: {  	v3 =	vadd.s32 v1, v3;
	_ =	sdelay $0x1  }
0x2ff: {  	s1 =	simm.s32 $0xD800  }
0x300: {  	[tilespmem:s1], [sflag:$0x4] =	stream.indirect_vreg.gather [hbm4b:s4+s2], $0x80, v4, vm0, $0xb8;
	[tilespmem:$0x18800] =	vst v63  }
0x301: {  	s10 =	simm.s32 $0xE000  }
0x302: {  	[tilespmem:s10], [sflag:$0x4] =	stream.indirect_vreg.gather [hbm4b:s4+s2], $0x80, v3, vm0, $0xb8;
	[tilespmem:$0x18800] =	vst v63  }
0x303: {  	v3 =	vld [tilespmem:$0x7A0];
	_ =	sdelay $0x4  }
0x304: {  	v62 =	vshll.u32 v3, $0x1  }
0x305: {  	v3 =	vand.u32 $0x7, v3;
	v4 =	vand.u32 $0xFFFFFFF0, v62  }
0x306: {  	v3 =	vor.u32 v3, v4  }
0x307: {  	v4 =	vperm.xlane v3, v0;
	_ =	sdelay $0x1  }
0x308: {  	v3 =	vperm.xlane v3, v2;
	v4 =	vadd.s32 v1, v4;
	_ =	sdelay $0x1  }
0x309: {  	v3 =	vadd.s32 v1, v3;
	_ =	sdelay $0x1  }
0x30a: {  	s29 =	simm.s32 $0xE800  }
0x30b: {  	[tilespmem:s29], [sflag:$0x4] =	stream.indirect_vreg.gather [hbm4b:s4+s2], $0x80, v4, vm0, $0xb8;
	[tilespmem:$0x18800] =	vst v63  }
0x30c: {  	s1 =	simm.s32 $0xF000  }
0x30d: {  	[tilespmem:s1], [sflag:$0x4] =	stream.indirect_vreg.gather [hbm4b:s4+s2], $0x80, v3, vm0, $0xb8;
	[tilespmem:$0x18800] =	vst v63  }
0x30e: {  	v3 =	vld [tilespmem:$0x7B0];
	_ =	sdelay $0x4  }
0x30f: {  	v63 =	vshll.u32 v3, $0x1  }
0x310: {  	v3 =	vand.u32 $0x7, v3;
	v4 =	vand.u32 $0xFFFFFFF0, v63  }
0x311: {  	v3 =	vor.u32 v3, v4  }
0x312: {  	v4 =	vperm.xlane v3, v0;
	_ =	sdelay $0x1  }
0x313: {  	v3 =	vperm.xlane v3, v2;
	v4 =	vadd.s32 v1, v4;
	_ =	sdelay $0x1  }
0x314: {  	v3 =	vadd.s32 v1, v3;
	_ =	sdelay $0x1  }
0x315: {  	s10 =	simm.s32 $0xF800  }
0x316: {  	[tilespmem:s10], [sflag:$0x4] =	stream.indirect_vreg.gather [hbm4b:s4+s2], $0x80, v4, vm0, $0xb8;
	[tilespmem:$0x18800] =	vst v63  }
0x317: {  	s29 =	simm.s32 $0x10000  }
0x318: {  	[tilespmem:s29], [sflag:$0x4] =	stream.indirect_vreg.gather [hbm4b:s4+s2], $0x80, v3, vm0, $0xb8;
	[tilespmem:$0x18800] =	vst v63  }
0x319: {  	_ =	swait.ge [sflag:s13], $0x4000  }
0x31a: {  	[sflag:s13] =	ssyncset.done $0x0  }
0x31b: {  	s0 =	rddreg [dreg:$0x10];
	[sflag:s13] =	ssyncadd.s32 $0xFFFFC000  }
0x31c: {  	[hbm4b:s0+s2] =	stream.linear.scatter [tilespmem:s23], [sflag:$0x8], $0x4000, $0x38;
	[tilespmem:$0x18800] =	vst v63  }
0x31d: {  	_ =	swait.ge [sflag:s16], $0x4000  }
0x31e: {  	[sflag:s16] =	ssyncset.done $0x0  }
0x31f: {  	s1 =	rddreg [dreg:$0x11];
	[sflag:s16] =	ssyncadd.s32 $0xFFFFC000  }
0x320: {  	[hbm4b:s1+s2] =	stream.linear.scatter [tilespmem:s6], [sflag:$0x9], $0x4000, $0x38;
	[tilespmem:$0x18800] =	vst v63  }
0x321: {  	_ =	swait.ge [sflag:s18], $0x4000  }
0x322: {  	[sflag:s18] =	ssyncset.done $0x0  }
0x323: {  	s10 =	rddreg [dreg:$0x12];
	[sflag:s18] =	ssyncadd.s32 $0xFFFFC000  }
0x324: {  	[hbm4b:s10+s2] =	stream.linear.scatter [tilespmem:s20], [sflag:$0xA], $0x4000, $0x38;
	[tilespmem:$0x18800] =	vst v63  }
0x325: {  	_ =	swait.ge [sflag:s3], $0x4000  }
0x326: {  	[sflag:s3] =	ssyncset.done $0x0  }
0x327: {  	[sflag:s3] =	ssyncadd.s32 $0xFFFFC000  }
0x328: {  	_ =	swait.ge [sflag:s8], $0x4000  }
0x329: {  	[sflag:s8] =	ssyncset.done $0x0  }
0x32a: {  	[sflag:s8] =	ssyncadd.s32 $0xFFFFC000  }
0x32b: {  	_ =	swait.ge [sflag:s19], $0x4000  }
0x32c: {  	[sflag:s19] =	ssyncset.done $0x0  }
0x32d: {  	[sflag:s19] =	ssyncadd.s32 $0xFFFFC000  }
0x32e: {  	_ =	swait.ge [sflag:s21], $0x4000  }
0x32f: {  	[sflag:s21] =	ssyncset.done $0x0  }
0x330: {  	[sflag:s21] =	ssyncadd.s32 $0xFFFFC000  }
0x331: {  	p0 =	sne.s32 s5, $0x1;
	_ =	swait.ge [sflag:s24], $0x4000  }
.Ltmp0:
0x332: {  	[sflag:s24] =	ssyncset.done $0x0;
	(pc) =	sbr.rel @p0 .LBB2_1-.Ltmp0, $4  }
0x333: {  	[sflag:s24] =	ssyncadd.s32 $0xFFFFC000  }
0x334: {  	_ =	swait.ge [sflag:s25], $0x4000  }
0x335: {  	[sflag:s25] =	ssyncset.done $0x0  }
0x336: {  	s5 =	sadd.s32 $0xFFFFFFFF, s5;
	[sflag:s25] =	ssyncadd.s32 $0xFFFFC000  }
0x337: {  	_ =	sfence.sel $0x180000  }
0x338: {  	[bflag:$0x0] =	sbarrier.arrive $0xFFFF  }
0x339: {  	_ =	strace $0x90000047  }
0x33a: {  	s0 =	stileid.u32;
	[bflag:$0x2] =	sbarrier.arrive $0xFFFF  }
0x33b: {  	p0 =	sne.s32 s0, $0x0;
	s0 =	rddreg [dreg:$0x2]  }
0x33c: {  	s0 =	sadd.s32 @!p0 $0x100000, s0  }
0x33d: {  	[sflag:s0] =	ssyncadd.tile.s32 @!p0 $0x1;
	_ =	shalt  }
.Lfunc_end2:
_tile_overlayer_lowered:
.L_overlay_start_2:
0x33e: {  	(tag) =	ssettag $0x2  }
0x33f: {  	s0 =	rddreg [dreg:$0x0];
	s2 =	stileid.u32  }
0x340: {  	s1 =	rddreg [dreg:$0x1];
	p0 =	sne.s32 s2, $0x0  }
0x341: {  	s3 =	rddreg [dreg:$0x2];
	[bflag:$0x3] =	sbarrier.arrive $0xFFFF;
	s2 =	simm.s32 @!p0 $0x1C0E  }
0x342: {  	[timem:s3], [sflag:s2] =	dma.local @!p0 [hbm:s0], s1  }
0x343: {  	s0 =	simm.s32 @!p0 $0xE  }
0x344: {  	_ =	swait.ge @!p0 [sflag:s0], s1  }
0x345: {  	s1 =	ssub.s32 @!p0 $0x0, s1;
	[sflag:s0] =	ssyncset.done @!p0 $0x0  }
0x346: {  	[sflag:s0] =	ssyncadd.s32 @!p0 s1  }
0x347: {  	[bflag:$0x3] =	sbarrier.arrive $0xFFFF  }
0x348: {  	_ =	shalt  }

</sc_bundles>
